<compile_context>
chip_gen: v7x
topology: tpu7x:2x2x1
jax: 0.10.2.dev20260603
libtpu: 0.0.44.dev20260713+nightly
codegen_flags: <defaults>
</compile_context>

<pallas_src>
import functools

import jax
import jax.numpy as jnp
from jax import lax
from jax.experimental import pallas as pl
from jax.experimental.pallas import tpu as pltpu
from jax.experimental.pallas import tpu_sc as plsc

N_NODES_C = 10000
D_EMB_C = 128
E_C = 320000
CHUNK = 32
N_CHUNKS = E_C // CHUNK
L = 16
DF = 16
NBUF = 2


def _sc_kernel_body(emb_hbm, src_id_hbm, dst_id_hbm, featsp_hbm, wvec_hbm,
                    out_hbm,
                    idx_s, idx_d, src_rows, dst_rows, feats_v, out_v, wv,
                    tbl_sh,
                    sem_is, sem_id, sem_gs, sem_gd, sem_ft, sem_out, sem_w):
    nc = plsc.get_sparse_core_info().num_cores
    sid = lax.axis_index("s")
    wid = sid * nc + lax.axis_index("c")
    n_workers = 32
    n_groups = CHUNK // L

    pltpu.async_copy(wvec_hbm, wv, sem_w).wait()

    rpt = 624
    pltpu.sync_copy(emb_hbm.at[pl.ds(sid * rpt, rpt), :],
                    tbl_sh.at[pl.ds(sid * rpt, rpt), :])

    @pl.when(sid == 0)
    def _():
        pltpu.sync_copy(emb_hbm.at[pl.ds(16 * rpt, N_NODES_C - 16 * rpt), :],
                        tbl_sh.at[pl.ds(16 * rpt, N_NODES_C - 16 * rpt), :])

    plsc.subcore_barrier()

    base_chunks = N_CHUNKS // n_workers
    extra = N_CHUNKS - base_chunks * n_workers
    my_n = base_chunks + jnp.where(wid < extra, 1, 0)

    lane = lax.iota(jnp.int32, L)
    rows_of = [g * L + lane for g in range(n_groups)]

    def ebase(c):
        return (wid + c * n_workers) * CHUNK

    def issue_idx(c, b):
        pltpu.async_copy(src_id_hbm.at[pl.ds(ebase(c), CHUNK)], idx_s[b], sem_is[b])
        pltpu.async_copy(dst_id_hbm.at[pl.ds(ebase(c), CHUNK)], idx_d[b], sem_id[b])

    def wait_idx(b):
        pltpu.make_async_copy(src_id_hbm.at[pl.ds(0, CHUNK)], idx_s[b], sem_is[b]).wait()
        pltpu.make_async_copy(dst_id_hbm.at[pl.ds(0, CHUNK)], idx_d[b], sem_id[b]).wait()

    def issue_gathers(c, b):
        pltpu.async_copy(tbl_sh.at[idx_s[b]], src_rows[b], sem_gs[b])
        pltpu.async_copy(tbl_sh.at[idx_d[b]], dst_rows[b], sem_gd[b])
        pltpu.async_copy(featsp_hbm.at[pl.ds(ebase(c), CHUNK), :], feats_v[b], sem_ft[b])

    def wait_gathers(b):
        pltpu.make_async_copy(tbl_sh.at[idx_s[b]], src_rows[b], sem_gs[b]).wait()
        pltpu.make_async_copy(tbl_sh.at[idx_d[b]], dst_rows[b], sem_gd[b]).wait()
        pltpu.make_async_copy(featsp_hbm.at[pl.ds(0, CHUNK), :], feats_v[b], sem_ft[b]).wait()

    def compute(b):
        zero = tuple(jnp.zeros((L,), jnp.float32) for _ in range(n_groups))

        @plsc.parallel_loop(0, D_EMB_C, 1, unroll=8, carry=zero)
        def accs(d, accs_in):
            col = (jnp.full((L,), 0, jnp.int32) + d + lane) & (D_EMB_C - 1)
            ws = plsc.load_gather(wv, [col])
            new = []
            for g in range(n_groups):
                s = plsc.load_gather(src_rows[b], [rows_of[g], col])
                t = plsc.load_gather(dst_rows[b], [rows_of[g], col])
                new.append(accs_in[g] + s * t * ws)
            return tuple(new)

        for f in range(DF):
            col = (jnp.full((L,), f, jnp.int32) + lane) & (DF - 1)
            wf = plsc.load_gather(wv, [col + D_EMB_C])
            accs = tuple(accs[g] + plsc.load_gather(feats_v[b], [rows_of[g], col]) * wf
                         for g in range(n_groups))

        for g in range(n_groups):
            out_v[b][pl.ds(g * L, L)] = 1.0 / (1.0 + jnp.exp(-accs[g]))

    def issue_out(c, b):
        pltpu.async_copy(out_v[b], out_hbm.at[pl.ds(ebase(c), CHUNK)], sem_out[b])

    def wait_out(b):
        pltpu.make_async_copy(out_v[b], out_hbm.at[pl.ds(0, CHUNK)], sem_out[b]).wait()

    issue_idx(0, 0)
    issue_idx(1, 1)
    wait_idx(0)
    issue_gathers(0, 0)

    def outer(i2, _):
        for bpar in range(NBUF):
            c = i2 * NBUF + bpar
            b = bpar

            @pl.when(c < my_n)
            def _():
                nb = 1 - b
                wait_gathers(b)

                @pl.when(c + 1 < my_n)
                def _():
                    wait_idx(nb)
                    issue_gathers(c + 1, nb)

                @pl.when(c + 2 < my_n)
                def _():
                    issue_idx(c + 2, b)

                @pl.when(c >= NBUF)
                def _():
                    wait_out(b)

                compute(b)
                issue_out(c, b)
        return ()

    lax.fori_loop(0, (base_chunks + 1 + NBUF - 1) // NBUF, outer, ())
    for b in range(NBUF):
        wait_out(b)


@jax.jit
def _run(embedding, src_id, dst_id, featsp, wvec):
    mesh = plsc.VectorSubcoreMesh(core_axis_name="c", subcore_axis_name="s")
    vm = pltpu.VMEM
    k = functools.partial(
        pl.kernel,
        out_type=jax.ShapeDtypeStruct((E_C,), jnp.float32),
        mesh=mesh,
        compiler_params=pltpu.CompilerParams(needs_layout_passes=False),
        scratch_types=[
            [vm((CHUNK,), jnp.int32) for _ in range(NBUF)],
            [vm((CHUNK,), jnp.int32) for _ in range(NBUF)],
            [vm((CHUNK, D_EMB_C), jnp.float32) for _ in range(NBUF)],
            [vm((CHUNK, D_EMB_C), jnp.float32) for _ in range(NBUF)],
            [vm((CHUNK, DF), jnp.float32) for _ in range(NBUF)],
            [vm((CHUNK,), jnp.float32) for _ in range(NBUF)],
            vm((D_EMB_C + L,), jnp.float32),
            pltpu.VMEM_SHARED((N_NODES_C, D_EMB_C), jnp.float32),
            [pltpu.SemaphoreType.DMA for _ in range(NBUF)],
            [pltpu.SemaphoreType.DMA for _ in range(NBUF)],
            [pltpu.SemaphoreType.DMA for _ in range(NBUF)],
            [pltpu.SemaphoreType.DMA for _ in range(NBUF)],
            [pltpu.SemaphoreType.DMA for _ in range(NBUF)],
            [pltpu.SemaphoreType.DMA for _ in range(NBUF)],
            pltpu.SemaphoreType.DMA,
        ],
    )(_sc_kernel_body)
    return k(embedding, src_id, dst_id, featsp, wvec)


def kernel(embedding, src_id, dst_id, edge_feats, W, b):
    E = src_id.shape[0]
    src32 = src_id.astype(jnp.int32)
    dst32 = dst_id.astype(jnp.int32)
    featsp = jnp.concatenate(
        [edge_feats.astype(jnp.float32),
         jnp.ones((E, 1), jnp.float32),
         jnp.zeros((E, DF - 1 - edge_feats.shape[1]), jnp.float32)], axis=1)
    w = W[:, 0].astype(jnp.float32)
    wvec = jnp.concatenate(
        [w, b.astype(jnp.float32).reshape(1),
         jnp.zeros((L - 1 - (w.shape[0] - D_EMB_C),), jnp.float32)])
    out = _run(embedding.astype(jnp.float32), src32, dst32, featsp, wvec)
    return out.reshape(E, 1)

# --- scband reference (transcript-rebuilt; emitter-appended) ---
"""Pipeline reference for scband-model-11278584119617 (READ-ONLY COPY).

The authoritative reference and input builder live on the scoring server;
editing this copy changes nothing except your own understanding.
"""

import jax, jax.numpy as jnp
import numpy as np

N_NODES = 10000
N_EDGES = 320000
D_EMB = 128
D_EDGE_FEAT = 6


def setup_inputs(seed: int = 0) -> dict:
    key = jax.random.key(seed)
    k1, k2, k3, k4, k5 = jax.random.split(key, 5)
    # Precomputed node embedding matrix (self.embedding in the torch module)
    embedding = jax.random.normal(k1, (N_NODES, D_EMB), dtype=jnp.float32)
    # Edge endpoint ids from the dataframe columns src_id / dst_id
    src_id = jax.random.randint(k2, (N_EDGES,), 0, N_NODES, dtype=jnp.int64)
    dst_id = jax.random.randint(k3, (N_EDGES,), 0, N_NODES, dtype=jnp.int64)
    # The six per-edge flow features: pktperflow, byteperflow, tot_dur, flows, pktrate, tot_kbps
    edge_feats = jax.random.normal(k4, (N_EDGES, D_EDGE_FEAT), dtype=jnp.float32)
    # BinaryClassifier(out_feat + 6): linear -> sigmoid
    W = jax.random.normal(k5, (D_EMB + D_EDGE_FEAT, 1), dtype=jnp.float32) * 0.05
    b = jnp.zeros((1,), dtype=jnp.float32)
    return {"embedding": embedding, "src_id": src_id, "dst_id": dst_id,
            "edge_feats": edge_feats, "W": W, "b": b}


def reference(embedding, src_id, dst_id, edge_feats, W, b):
    # edge_encoder: gather src/dst node embeddings (emb[data['src_id'],:], emb[data['dst_id'],:])
    src = jnp.take(embedding, src_id, axis=0)
    dst = jnp.take(embedding, dst_id, axis=0)
    # encoding_method == 'Hadamard'
    codes = src * dst
    # concatenate per-edge flow features
    X = jnp.concatenate([codes, edge_feats], axis=1)
    # BinaryClassifier forward: linear + sigmoid producing per-edge probability
    logits = X @ W + b
    return jax.nn.sigmoid(logits)

if __name__ == "__main__":
    import jax
    _d = setup_inputs()
    print(jax.jit(kernel)(*tuple(_d.values())))

</pallas_src>

<mosaic_0001>
#map = affine_map<(d0, d1) -> (0, 0)>
#map1 = affine_map<(d0, d1) -> (0)>
module attributes {stable_mosaic.version = 14 : i64} {
  func.func @_sc_kernel_body(%arg0: i32, %arg1: i32, %arg2: memref<10000x128xf32, #tpu.memory_space<hbm>>, %arg3: memref<320000xi32, #tpu.memory_space<hbm>>, %arg4: memref<320000xi32, #tpu.memory_space<hbm>>, %arg5: memref<320000x16xf32, #tpu.memory_space<hbm>>, %arg6: memref<144xf32, #tpu.memory_space<hbm>>, %arg7: memref<320000xf32, #tpu.memory_space<hbm>>, %arg8: memref<32xi32, #tpu.memory_space<vmem>>, %arg9: memref<32xi32, #tpu.memory_space<vmem>>, %arg10: memref<32xi32, #tpu.memory_space<vmem>>, %arg11: memref<32xi32, #tpu.memory_space<vmem>>, %arg12: memref<32x128xf32, #tpu.memory_space<vmem>>, %arg13: memref<32x128xf32, #tpu.memory_space<vmem>>, %arg14: memref<32x128xf32, #tpu.memory_space<vmem>>, %arg15: memref<32x128xf32, #tpu.memory_space<vmem>>, %arg16: memref<32x16xf32, #tpu.memory_space<vmem>>, %arg17: memref<32x16xf32, #tpu.memory_space<vmem>>, %arg18: memref<32xf32, #tpu.memory_space<vmem>>, %arg19: memref<32xf32, #tpu.memory_space<vmem>>, %arg20: memref<144xf32, #tpu.memory_space<vmem>>, %arg21: memref<10000x128xf32, #tpu.memory_space<vmem_shared>>, %arg22: memref<!tpu.dma_semaphore, #tpu.memory_space<semaphore_mem>>, %arg23: memref<!tpu.dma_semaphore, #tpu.memory_space<semaphore_mem>>, %arg24: memref<!tpu.dma_semaphore, #tpu.memory_space<semaphore_mem>>, %arg25: memref<!tpu.dma_semaphore, #tpu.memory_space<semaphore_mem>>, %arg26: memref<!tpu.dma_semaphore, #tpu.memory_space<semaphore_mem>>, %arg27: memref<!tpu.dma_semaphore, #tpu.memory_space<semaphore_mem>>, %arg28: memref<!tpu.dma_semaphore, #tpu.memory_space<semaphore_mem>>, %arg29: memref<!tpu.dma_semaphore, #tpu.memory_space<semaphore_mem>>, %arg30: memref<!tpu.dma_semaphore, #tpu.memory_space<semaphore_mem>>, %arg31: memref<!tpu.dma_semaphore, #tpu.memory_space<semaphore_mem>>, %arg32: memref<!tpu.dma_semaphore, #tpu.memory_space<semaphore_mem>>, %arg33: memref<!tpu.dma_semaphore, #tpu.memory_space<semaphore_mem>>, %arg34: memref<!tpu.dma_semaphore, #tpu.memory_space<semaphore_mem>>) attributes {dimension_semantics = [#tpu.dimension_semantics<core_parallel>, #tpu.dimension_semantics<subcore_parallel>], iteration_bounds = array<i64: 2, 16>, scalar_prefetch = 0 : i64, scratch_operands = 27 : i64, tpu.core_type = #tpu.core_type<sc_vector_subcore>, window_params = [{transform_indices = #map}, {transform_indices = #map1}, {transform_indices = #map1}, {transform_indices = #map}, {transform_indices = #map1}, {transform_indices = #map1}]} {
    %mul3A = arith.constant 2 : i32
    %mul3A_0 = arith.muli %arg1, %mul3A : i32
    %add3A = arith.addi %mul3A_0, %arg0 : i32
    tpu.enqueue_dma source(%arg6 : memref<144xf32, #tpu.memory_space<hbm>>) target(%arg20 : memref<144xf32, #tpu.memory_space<vmem>>) target_semaphore(%arg34 : memref<!tpu.dma_semaphore, #tpu.memory_space<semaphore_mem>>)
    tpu.wait_dma2 semaphore(%arg34 : memref<!tpu.dma_semaphore, #tpu.memory_space<semaphore_mem>>) src(%arg6 : memref<144xf32, #tpu.memory_space<hbm>>) dst(%arg20 : memref<144xf32, #tpu.memory_space<vmem>>)
    %mul3A_1 = arith.constant 624 : i32
    %mul3A_2 = arith.muli %arg1, %mul3A_1 : i32
    %mul3A_3 = arith.constant 624 : i32
    %mul3A_4 = arith.muli %arg1, %mul3A_3 : i32
    "tpu.region"() ({
      %run_scoped3A = tpu.sem_alloc : memref<!tpu.dma_semaphore, #tpu.memory_space<semaphore_mem>>
      %dma_start3A_73 = arith.constant 0 : i32
      %dma_start3A_74 = tpu.memref_slice %arg21[%mul3A_4, %dma_start3A_73] : memref<10000x128xf32, #tpu.memory_space<vmem_shared>> -> memref<624x128xf32, #tpu.memory_space<vmem_shared>>
      %dma_start3A_75 = arith.constant 0 : i32
      %dma_start3A_76 = tpu.memref_slice %arg2[%mul3A_2, %dma_start3A_75] : memref<10000x128xf32, #tpu.memory_space<hbm>> -> memref<624x128xf32, #tpu.memory_space<hbm>>
      tpu.enqueue_dma source(%dma_start3A_76 : memref<624x128xf32, #tpu.memory_space<hbm>>) target(%dma_start3A_74 : memref<624x128xf32, #tpu.memory_space<vmem_shared>>) target_semaphore(%run_scoped3A : memref<!tpu.dma_semaphore, #tpu.memory_space<semaphore_mem>>)
      %dma_wait3A_77 = arith.constant 0 : i32
      %dma_wait3A_78 = tpu.memref_slice %arg21[%mul3A_4, %dma_wait3A_77] : memref<10000x128xf32, #tpu.memory_space<vmem_shared>> -> memref<624x128xf32, #tpu.memory_space<vmem_shared>>
      %dma_wait3A_79 = arith.constant 0 : i32
      %dma_wait3A_80 = tpu.memref_slice %arg2[%mul3A_2, %dma_wait3A_79] : memref<10000x128xf32, #tpu.memory_space<hbm>> -> memref<624x128xf32, #tpu.memory_space<hbm>>
      tpu.wait_dma2 semaphore(%run_scoped3A : memref<!tpu.dma_semaphore, #tpu.memory_space<semaphore_mem>>) src(%dma_wait3A_80 : memref<624x128xf32, #tpu.memory_space<hbm>>) dst(%dma_wait3A_78 : memref<624x128xf32, #tpu.memory_space<vmem_shared>>)
      tpu.yield
    }) : () -> ()
    %eq3A = arith.constant 0 : i32
    %eq3A_5 = arith.cmpi eq, %arg1, %eq3A : i32
    %convert_element_type3A = arith.extui %eq3A_5 : i1 to i32
    %cond3A = arith.constant 0 : i32
    %cond3A_6 = arith.cmpi ne, %convert_element_type3A, %cond3A : i32
    scf.if %cond3A_6 {
      "tpu.region"() ({
        %run_scoped3A = tpu.sem_alloc : memref<!tpu.dma_semaphore, #tpu.memory_space<semaphore_mem>>
        %dma_start3A_73 = arith.constant 9984 : i32
        %dma_start3A_74 = arith.constant 0 : i32
        %dma_start3A_75 = tpu.memref_slice %arg21[%dma_start3A_73, %dma_start3A_74] : memref<10000x128xf32, #tpu.memory_space<vmem_shared>> -> memref<16x128xf32, #tpu.memory_space<vmem_shared>>
        %dma_start3A_76 = arith.constant 9984 : i32
        %dma_start3A_77 = arith.constant 0 : i32
        %dma_start3A_78 = tpu.memref_slice %arg2[%dma_start3A_76, %dma_start3A_77] : memref<10000x128xf32, #tpu.memory_space<hbm>> -> memref<16x128xf32, #tpu.memory_space<hbm>>
        tpu.enqueue_dma source(%dma_start3A_78 : memref<16x128xf32, #tpu.memory_space<hbm>>) target(%dma_start3A_75 : memref<16x128xf32, #tpu.memory_space<vmem_shared>>) target_semaphore(%run_scoped3A : memref<!tpu.dma_semaphore, #tpu.memory_space<semaphore_mem>>)
        %dma_wait3A_79 = arith.constant 9984 : i32
        %dma_wait3A_80 = arith.constant 0 : i32
        %dma_wait3A_81 = tpu.memref_slice %arg21[%dma_wait3A_79, %dma_wait3A_80] : memref<10000x128xf32, #tpu.memory_space<vmem_shared>> -> memref<16x128xf32, #tpu.memory_space<vmem_shared>>
        %dma_wait3A_82 = arith.constant 9984 : i32
        %dma_wait3A_83 = arith.constant 0 : i32
        %dma_wait3A_84 = tpu.memref_slice %arg2[%dma_wait3A_82, %dma_wait3A_83] : memref<10000x128xf32, #tpu.memory_space<hbm>> -> memref<16x128xf32, #tpu.memory_space<hbm>>
        tpu.wait_dma2 semaphore(%run_scoped3A : memref<!tpu.dma_semaphore, #tpu.memory_space<semaphore_mem>>) src(%dma_wait3A_84 : memref<16x128xf32, #tpu.memory_space<hbm>>) dst(%dma_wait3A_81 : memref<16x128xf32, #tpu.memory_space<vmem_shared>>)
        tpu.yield
      }) : () -> ()
    } else {
    }
    %barrier3A = arith.constant 0 : index
    tpu.barrier barrier_id(%barrier3A)
    %lt3A = arith.constant 16 : i32
    %lt3A_7 = arith.cmpi slt, %add3A, %lt3A : i32
    %jit3A = arith.constant 1 : i32
    %jit3A_8 = arith.constant 0 : i32
    %select_n3A = arith.select %lt3A_7, %jit3A, %jit3A_8 : i32
    %add3A_9 = arith.constant 312 : i32
    %add3A_10 = arith.addi %add3A_9, %select_n3A : i32
    %iota3A = tpu.iota {dimensions = array<i32: 0>} : vector<16xi32>
    %add3A_11 = arith.constant 0 : i32
    %add3A_12 = vector.broadcast %add3A_11 : i32 to vector<16xi32>
    %add3A_13 = arith.addi %add3A_12, %iota3A : vector<16xi32>
    %add3A_14 = arith.constant 16 : i32
    %add3A_15 = vector.broadcast %add3A_14 : i32 to vector<16xi32>
    %add3A_16 = arith.addi %add3A_15, %iota3A : vector<16xi32>
    %add3A_17 = arith.constant 0 : i32
    %add3A_18 = arith.addi %add3A, %add3A_17 : i32
    %mul3A_19 = arith.constant 32 : i32
    %mul3A_20 = arith.muli %add3A_18, %mul3A_19 : i32
    %dma_start3A = tpu.memref_slice %arg3[%mul3A_20] : memref<320000xi32, #tpu.memory_space<hbm>> -> memref<32xi32, #tpu.memory_space<hbm>>
    %dma_start3A_21 = tpu.memref_slice %arg3[%mul3A_20] : memref<320000xi32, #tpu.memory_space<hbm>> -> memref<32xi32, #tpu.memory_space<hbm>>
    tpu.enqueue_dma source(%dma_start3A_21 : memref<32xi32, #tpu.memory_space<hbm>>) target(%arg8 : memref<32xi32, #tpu.memory_space<vmem>>) target_semaphore(%arg22 : memref<!tpu.dma_semaphore, #tpu.memory_space<semaphore_mem>>)
    %add3A_22 = arith.constant 0 : i32
    %add3A_23 = arith.addi %add3A, %add3A_22 : i32
    %mul3A_24 = arith.constant 32 : i32
    %mul3A_25 = arith.muli %add3A_23, %mul3A_24 : i32
    %dma_start3A_26 = tpu.memref_slice %arg4[%mul3A_25] : memref<320000xi32, #tpu.memory_space<hbm>> -> memref<32xi32, #tpu.memory_space<hbm>>
    %dma_start3A_27 = tpu.memref_slice %arg4[%mul3A_25] : memref<320000xi32, #tpu.memory_space<hbm>> -> memref<32xi32, #tpu.memory_space<hbm>>
    tpu.enqueue_dma source(%dma_start3A_27 : memref<32xi32, #tpu.memory_space<hbm>>) target(%arg10 : memref<32xi32, #tpu.memory_space<vmem>>) target_semaphore(%arg24 : memref<!tpu.dma_semaphore, #tpu.memory_space<semaphore_mem>>)
    %add3A_28 = arith.constant 32 : i32
    %add3A_29 = arith.addi %add3A, %add3A_28 : i32
    %mul3A_30 = arith.constant 32 : i32
    %mul3A_31 = arith.muli %add3A_29, %mul3A_30 : i32
    %dma_start3A_32 = tpu.memref_slice %arg3[%mul3A_31] : memref<320000xi32, #tpu.memory_space<hbm>> -> memref<32xi32, #tpu.memory_space<hbm>>
    %dma_start3A_33 = tpu.memref_slice %arg3[%mul3A_31] : memref<320000xi32, #tpu.memory_space<hbm>> -> memref<32xi32, #tpu.memory_space<hbm>>
    tpu.enqueue_dma source(%dma_start3A_33 : memref<32xi32, #tpu.memory_space<hbm>>) target(%arg9 : memref<32xi32, #tpu.memory_space<vmem>>) target_semaphore(%arg23 : memref<!tpu.dma_semaphore, #tpu.memory_space<semaphore_mem>>)
    %add3A_34 = arith.constant 32 : i32
    %add3A_35 = arith.addi %add3A, %add3A_34 : i32
    %mul3A_36 = arith.constant 32 : i32
    %mul3A_37 = arith.muli %add3A_35, %mul3A_36 : i32
    %dma_start3A_38 = tpu.memref_slice %arg4[%mul3A_37] : memref<320000xi32, #tpu.memory_space<hbm>> -> memref<32xi32, #tpu.memory_space<hbm>>
    %dma_start3A_39 = tpu.memref_slice %arg4[%mul3A_37] : memref<320000xi32, #tpu.memory_space<hbm>> -> memref<32xi32, #tpu.memory_space<hbm>>
    tpu.enqueue_dma source(%dma_start3A_39 : memref<32xi32, #tpu.memory_space<hbm>>) target(%arg11 : memref<32xi32, #tpu.memory_space<vmem>>) target_semaphore(%arg25 : memref<!tpu.dma_semaphore, #tpu.memory_space<semaphore_mem>>)
    %dma_wait3A = arith.constant 0 : i32
    %dma_wait3A_40 = tpu.memref_slice %arg3[%dma_wait3A] : memref<320000xi32, #tpu.memory_space<hbm>> -> memref<32xi32, #tpu.memory_space<hbm>>
    %dma_wait3A_41 = arith.constant 0 : i32
    %dma_wait3A_42 = tpu.memref_slice %arg3[%dma_wait3A_41] : memref<320000xi32, #tpu.memory_space<hbm>> -> memref<32xi32, #tpu.memory_space<hbm>>
    tpu.wait_dma2 semaphore(%arg22 : memref<!tpu.dma_semaphore, #tpu.memory_space<semaphore_mem>>) src(%dma_wait3A_42 : memref<32xi32, #tpu.memory_space<hbm>>) dst(%arg8 : memref<32xi32, #tpu.memory_space<vmem>>)
    %dma_wait3A_43 = arith.constant 0 : i32
    %dma_wait3A_44 = tpu.memref_slice %arg4[%dma_wait3A_43] : memref<320000xi32, #tpu.memory_space<hbm>> -> memref<32xi32, #tpu.memory_space<hbm>>
    %dma_wait3A_45 = arith.constant 0 : i32
    %dma_wait3A_46 = tpu.memref_slice %arg4[%dma_wait3A_45] : memref<320000xi32, #tpu.memory_space<hbm>> -> memref<32xi32, #tpu.memory_space<hbm>>
    tpu.wait_dma2 semaphore(%arg24 : memref<!tpu.dma_semaphore, #tpu.memory_space<semaphore_mem>>) src(%dma_wait3A_46 : memref<32xi32, #tpu.memory_space<hbm>>) dst(%arg10 : memref<32xi32, #tpu.memory_space<vmem>>)
    %dma_start3A_47 = arith.constant 0 : i32
    %dma_start3A_48 = arith.constant 0 : i32
    %dma_start3A_49 = tpu.memref_slice %arg21[%dma_start3A_47, %dma_start3A_48] : memref<10000x128xf32, #tpu.memory_space<vmem_shared>> -> memref<10000x128xf32, #tpu.memory_space<vmem_shared>>
    tpu.enqueue_indirect_dma source(%dma_start3A_49 : memref<10000x128xf32, #tpu.memory_space<vmem_shared>>) target(%arg12 : memref<32x128xf32, #tpu.memory_space<vmem>>) offsets(%arg8 : memref<32xi32, #tpu.memory_space<vmem>>) semaphore(%arg26 : memref<!tpu.dma_semaphore, #tpu.memory_space<semaphore_mem>>)
    %dma_start3A_50 = arith.constant 0 : i32
    %dma_start3A_51 = arith.constant 0 : i32
    %dma_start3A_52 = tpu.memref_slice %arg21[%dma_start3A_50, %dma_start3A_51] : memref<10000x128xf32, #tpu.memory_space<vmem_shared>> -> memref<10000x128xf32, #tpu.memory_space<vmem_shared>>
    tpu.enqueue_indirect_dma source(%dma_start3A_52 : memref<10000x128xf32, #tpu.memory_space<vmem_shared>>) target(%arg14 : memref<32x128xf32, #tpu.memory_space<vmem>>) offsets(%arg10 : memref<32xi32, #tpu.memory_space<vmem>>) semaphore(%arg28 : memref<!tpu.dma_semaphore, #tpu.memory_space<semaphore_mem>>)
    %add3A_53 = arith.constant 0 : i32
    %add3A_54 = arith.addi %add3A, %add3A_53 : i32
    %mul3A_55 = arith.constant 32 : i32
    %mul3A_56 = arith.muli %add3A_54, %mul3A_55 : i32
    %dma_start3A_57 = arith.constant 0 : i32
    %dma_start3A_58 = tpu.memref_slice %arg5[%mul3A_56, %dma_start3A_57] : memref<320000x16xf32, #tpu.memory_space<hbm>> -> memref<32x16xf32, #tpu.memory_space<hbm>>
    %dma_start3A_59 = arith.constant 0 : i32
    %dma_start3A_60 = tpu.memref_slice %arg5[%mul3A_56, %dma_start3A_59] : memref<320000x16xf32, #tpu.memory_space<hbm>> -> memref<32x16xf32, #tpu.memory_space<hbm>>
    tpu.enqueue_dma source(%dma_start3A_60 : memref<32x16xf32, #tpu.memory_space<hbm>>) target(%arg16 : memref<32x16xf32, #tpu.memory_space<vmem>>) target_semaphore(%arg30 : memref<!tpu.dma_semaphore, #tpu.memory_space<semaphore_mem>>)
    %scan3A = arith.constant 0 : i32
    %scan3A_61 = arith.constant 157 : i32
    %scan3A_62 = arith.addi %scan3A, %scan3A_61 : i32
    %scan3A_63 = arith.constant 1 : i32
    scf.for %scan3A_73 = %scan3A to %scan3A_62 step %scan3A_63  : i32 {
      %mul3A_74 = arith.constant 2 : i32
      %mul3A_75 = arith.muli %scan3A_73, %mul3A_74 : i32
      %add3A_76 = arith.constant 0 : i32
      %add3A_77 = arith.addi %mul3A_75, %add3A_76 : i32
      %lt3A_78 = arith.cmpi slt, %add3A_77, %add3A_10 : i32
      %convert_element_type3A_79 = arith.extui %lt3A_78 : i1 to i32
      %cond3A_80 = arith.constant 0 : i32
      %cond3A_81 = arith.cmpi ne, %convert_element_type3A_79, %cond3A_80 : i32
      scf.if %cond3A_81 {
        %dma_wait3A_90 = arith.constant 0 : i32
        %dma_wait3A_91 = arith.constant 0 : i32
        %dma_wait3A_92 = tpu.memref_slice %arg21[%dma_wait3A_90, %dma_wait3A_91] : memref<10000x128xf32, #tpu.memory_space<vmem_shared>> -> memref<10000x128xf32, #tpu.memory_space<vmem_shared>>
        tpu.wait_indirect_dma semaphore(%arg26 : memref<!tpu.dma_semaphore, #tpu.memory_space<semaphore_mem>>) src(%dma_wait3A_92 : memref<10000x128xf32, #tpu.memory_space<vmem_shared>>) dst(%arg12 : memref<32x128xf32, #tpu.memory_space<vmem>>)
        %dma_wait3A_93 = arith.constant 0 : i32
        %dma_wait3A_94 = arith.constant 0 : i32
        %dma_wait3A_95 = tpu.memref_slice %arg21[%dma_wait3A_93, %dma_wait3A_94] : memref<10000x128xf32, #tpu.memory_space<vmem_shared>> -> memref<10000x128xf32, #tpu.memory_space<vmem_shared>>
        tpu.wait_indirect_dma semaphore(%arg28 : memref<!tpu.dma_semaphore, #tpu.memory_space<semaphore_mem>>) src(%dma_wait3A_95 : memref<10000x128xf32, #tpu.memory_space<vmem_shared>>) dst(%arg14 : memref<32x128xf32, #tpu.memory_space<vmem>>)
        %dma_wait3A_96 = arith.constant 0 : i32
        %dma_wait3A_97 = arith.constant 0 : i32
        %dma_wait3A_98 = tpu.memref_slice %arg5[%dma_wait3A_96, %dma_wait3A_97] : memref<320000x16xf32, #tpu.memory_space<hbm>> -> memref<32x16xf32, #tpu.memory_space<hbm>>
        %dma_wait3A_99 = arith.constant 0 : i32
        %dma_wait3A_100 = arith.constant 0 : i32
        %dma_wait3A_101 = tpu.memref_slice %arg5[%dma_wait3A_99, %dma_wait3A_100] : memref<320000x16xf32, #tpu.memory_space<hbm>> -> memref<32x16xf32, #tpu.memory_space<hbm>>
        tpu.wait_dma2 semaphore(%arg30 : memref<!tpu.dma_semaphore, #tpu.memory_space<semaphore_mem>>) src(%dma_wait3A_101 : memref<32x16xf32, #tpu.memory_space<hbm>>) dst(%arg16 : memref<32x16xf32, #tpu.memory_space<vmem>>)
        %add3A_102 = arith.constant 1 : i32
        %add3A_103 = arith.addi %add3A_77, %add3A_102 : i32
        %lt3A_104 = arith.cmpi slt, %add3A_103, %add3A_10 : i32
        %convert_element_type3A_105 = arith.extui %lt3A_104 : i1 to i32
        %cond3A_106 = arith.constant 0 : i32
        %cond3A_107 = arith.cmpi ne, %convert_element_type3A_105, %cond3A_106 : i32
        scf.if %cond3A_107 {
          %dma_wait3A_405 = arith.constant 0 : i32
          %dma_wait3A_406 = tpu.memref_slice %arg3[%dma_wait3A_405] : memref<320000xi32, #tpu.memory_space<hbm>> -> memref<32xi32, #tpu.memory_space<hbm>>
          %dma_wait3A_407 = arith.constant 0 : i32
          %dma_wait3A_408 = tpu.memref_slice %arg3[%dma_wait3A_407] : memref<320000xi32, #tpu.memory_space<hbm>> -> memref<32xi32, #tpu.memory_space<hbm>>
          tpu.wait_dma2 semaphore(%arg23 : memref<!tpu.dma_semaphore, #tpu.memory_space<semaphore_mem>>) src(%dma_wait3A_408 : memref<32xi32, #tpu.memory_space<hbm>>) dst(%arg9 : memref<32xi32, #tpu.memory_space<vmem>>)
          %dma_wait3A_409 = arith.constant 0 : i32
          %dma_wait3A_410 = tpu.memref_slice %arg4[%dma_wait3A_409] : memref<320000xi32, #tpu.memory_space<hbm>> -> memref<32xi32, #tpu.memory_space<hbm>>
          %dma_wait3A_411 = arith.constant 0 : i32
          %dma_wait3A_412 = tpu.memref_slice %arg4[%dma_wait3A_411] : memref<320000xi32, #tpu.memory_space<hbm>> -> memref<32xi32, #tpu.memory_space<hbm>>
          tpu.wait_dma2 semaphore(%arg25 : memref<!tpu.dma_semaphore, #tpu.memory_space<semaphore_mem>>) src(%dma_wait3A_412 : memref<32xi32, #tpu.memory_space<hbm>>) dst(%arg11 : memref<32xi32, #tpu.memory_space<vmem>>)
          %add3A_413 = arith.constant 1 : i32
          %add3A_414 = arith.addi %add3A_77, %add3A_413 : i32
          %dma_start3A_415 = arith.constant 0 : i32
          %dma_start3A_416 = arith.constant 0 : i32
          %dma_start3A_417 = tpu.memref_slice %arg21[%dma_start3A_415, %dma_start3A_416] : memref<10000x128xf32, #tpu.memory_space<vmem_shared>> -> memref<10000x128xf32, #tpu.memory_space<vmem_shared>>
          tpu.enqueue_indirect_dma source(%dma_start3A_417 : memref<10000x128xf32, #tpu.memory_space<vmem_shared>>) target(%arg13 : memref<32x128xf32, #tpu.memory_space<vmem>>) offsets(%arg9 : memref<32xi32, #tpu.memory_space<vmem>>) semaphore(%arg27 : memref<!tpu.dma_semaphore, #tpu.memory_space<semaphore_mem>>)
          %dma_start3A_418 = arith.constant 0 : i32
          %dma_start3A_419 = arith.constant 0 : i32
          %dma_start3A_420 = tpu.memref_slice %arg21[%dma_start3A_418, %dma_start3A_419] : memref<10000x128xf32, #tpu.memory_space<vmem_shared>> -> memref<10000x128xf32, #tpu.memory_space<vmem_shared>>
          tpu.enqueue_indirect_dma source(%dma_start3A_420 : memref<10000x128xf32, #tpu.memory_space<vmem_shared>>) target(%arg15 : memref<32x128xf32, #tpu.memory_space<vmem>>) offsets(%arg11 : memref<32xi32, #tpu.memory_space<vmem>>) semaphore(%arg29 : memref<!tpu.dma_semaphore, #tpu.memory_space<semaphore_mem>>)
          %mul3A_421 = arith.constant 32 : i32
          %mul3A_422 = arith.muli %add3A_414, %mul3A_421 : i32
          %add3A_423 = arith.addi %add3A, %mul3A_422 : i32
          %mul3A_424 = arith.constant 32 : i32
          %mul3A_425 = arith.muli %add3A_423, %mul3A_424 : i32
          %dma_start3A_426 = arith.constant 0 : i32
          %dma_start3A_427 = tpu.memref_slice %arg5[%mul3A_425, %dma_start3A_426] : memref<320000x16xf32, #tpu.memory_space<hbm>> -> memref<32x16xf32, #tpu.memory_space<hbm>>
          %dma_start3A_428 = arith.constant 0 : i32
          %dma_start3A_429 = tpu.memref_slice %arg5[%mul3A_425, %dma_start3A_428] : memref<320000x16xf32, #tpu.memory_space<hbm>> -> memref<32x16xf32, #tpu.memory_space<hbm>>
          tpu.enqueue_dma source(%dma_start3A_429 : memref<32x16xf32, #tpu.memory_space<hbm>>) target(%arg17 : memref<32x16xf32, #tpu.memory_space<vmem>>) target_semaphore(%arg31 : memref<!tpu.dma_semaphore, #tpu.memory_space<semaphore_mem>>)
        } else {
        }
        %add3A_108 = arith.constant 2 : i32
        %add3A_109 = arith.addi %add3A_77, %add3A_108 : i32
        %lt3A_110 = arith.cmpi slt, %add3A_109, %add3A_10 : i32
        %convert_element_type3A_111 = arith.extui %lt3A_110 : i1 to i32
        %cond3A_112 = arith.constant 0 : i32
        %cond3A_113 = arith.cmpi ne, %convert_element_type3A_111, %cond3A_112 : i32
        scf.if %cond3A_113 {
          %add3A_405 = arith.constant 2 : i32
          %add3A_406 = arith.addi %add3A_77, %add3A_405 : i32
          %mul3A_407 = arith.constant 32 : i32
          %mul3A_408 = arith.muli %add3A_406, %mul3A_407 : i32
          %add3A_409 = arith.addi %add3A, %mul3A_408 : i32
          %mul3A_410 = arith.constant 32 : i32
          %mul3A_411 = arith.muli %add3A_409, %mul3A_410 : i32
          %dma_start3A_412 = tpu.memref_slice %arg3[%mul3A_411] : memref<320000xi32, #tpu.memory_space<hbm>> -> memref<32xi32, #tpu.memory_space<hbm>>
          %dma_start3A_413 = tpu.memref_slice %arg3[%mul3A_411] : memref<320000xi32, #tpu.memory_space<hbm>> -> memref<32xi32, #tpu.memory_space<hbm>>
          tpu.enqueue_dma source(%dma_start3A_413 : memref<32xi32, #tpu.memory_space<hbm>>) target(%arg8 : memref<32xi32, #tpu.memory_space<vmem>>) target_semaphore(%arg22 : memref<!tpu.dma_semaphore, #tpu.memory_space<semaphore_mem>>)
          %mul3A_414 = arith.constant 32 : i32
          %mul3A_415 = arith.muli %add3A_406, %mul3A_414 : i32
          %add3A_416 = arith.addi %add3A, %mul3A_415 : i32
          %mul3A_417 = arith.constant 32 : i32
          %mul3A_418 = arith.muli %add3A_416, %mul3A_417 : i32
          %dma_start3A_419 = tpu.memref_slice %arg4[%mul3A_418] : memref<320000xi32, #tpu.memory_space<hbm>> -> memref<32xi32, #tpu.memory_space<hbm>>
          %dma_start3A_420 = tpu.memref_slice %arg4[%mul3A_418] : memref<320000xi32, #tpu.memory_space<hbm>> -> memref<32xi32, #tpu.memory_space<hbm>>
          tpu.enqueue_dma source(%dma_start3A_420 : memref<32xi32, #tpu.memory_space<hbm>>) target(%arg10 : memref<32xi32, #tpu.memory_space<vmem>>) target_semaphore(%arg24 : memref<!tpu.dma_semaphore, #tpu.memory_space<semaphore_mem>>)
        } else {
        }
        %ge3A = arith.constant 2 : i32
        %ge3A_114 = arith.cmpi sge, %add3A_77, %ge3A : i32
        %convert_element_type3A_115 = arith.extui %ge3A_114 : i1 to i32
        %cond3A_116 = arith.constant 0 : i32
        %cond3A_117 = arith.cmpi ne, %convert_element_type3A_115, %cond3A_116 : i32
        scf.if %cond3A_117 {
          %dma_wait3A_405 = arith.constant 0 : i32
          %dma_wait3A_406 = tpu.memref_slice %arg7[%dma_wait3A_405] : memref<320000xf32, #tpu.memory_space<hbm>> -> memref<32xf32, #tpu.memory_space<hbm>>
          %dma_wait3A_407 = arith.constant 0 : i32
          %dma_wait3A_408 = tpu.memref_slice %arg7[%dma_wait3A_407] : memref<320000xf32, #tpu.memory_space<hbm>> -> memref<32xf32, #tpu.memory_space<hbm>>
          tpu.wait_dma2 semaphore(%arg32 : memref<!tpu.dma_semaphore, #tpu.memory_space<semaphore_mem>>) src(%arg18 : memref<32xf32, #tpu.memory_space<vmem>>) dst(%dma_wait3A_408 : memref<32xf32, #tpu.memory_space<hbm>>)
        } else {
        }
        %broadcast_in_dim3A = arith.constant 0.000000e+00 : f32
        %broadcast_in_dim3A_118 = vector.broadcast %broadcast_in_dim3A : f32 to vector<16xf32>
        %broadcast_in_dim3A_119 = arith.constant 0.000000e+00 : f32
        %broadcast_in_dim3A_120 = vector.broadcast %broadcast_in_dim3A_119 : f32 to vector<16xf32>
        %parallel_loop3A = arith.constant 0 : i32
        %parallel_loop3A_121 = arith.constant 128 : i32
        %parallel_loop3A_122 = arith.constant 1 : i32
        %parallel_loop3A_123:2 = scf.for %parallel_loop3A_405 = %parallel_loop3A to %parallel_loop3A_121 step %parallel_loop3A_122 iter_args(%parallel_loop3A_406 = %broadcast_in_dim3A_118, %parallel_loop3A_407 = %broadcast_in_dim3A_120) -> (vector<16xf32>, vector<16xf32>)  : i32 {
          %parallel_loop3A_408 = arith.constant 0 : i32
          %parallel_loop3A_409 = vector.broadcast %parallel_loop3A_408 : i32 to vector<16xi32>
          %parallel_loop3A_410 = vector.broadcast %parallel_loop3A_405 : i32 to vector<16xi32>
          %parallel_loop3A_411 = arith.addi %parallel_loop3A_409, %parallel_loop3A_410 : vector<16xi32>
          %parallel_loop3A_412 = arith.addi %parallel_loop3A_411, %iota3A : vector<16xi32>
          %parallel_loop3A_413 = arith.constant 127 : i32
          %parallel_loop3A_414 = vector.broadcast %parallel_loop3A_413 : i32 to vector<16xi32>
          %parallel_loop3A_415 = arith.andi %parallel_loop3A_412, %parallel_loop3A_414 : vector<16xi32>
          %parallel_loop3A_416 = tpu.vector_load_idx %arg20[%parallel_loop3A_415] : memref<144xf32, #tpu.memory_space<vmem>>[vector<16xi32>], vector<16xf32>,
          %parallel_loop3A_417 = tpu.vector_load_idx %arg12[%add3A_13, %parallel_loop3A_415] : memref<32x128xf32, #tpu.memory_space<vmem>>[vector<16xi32>, vector<16xi32>], vector<16xf32>,
          %parallel_loop3A_418 = tpu.vector_load_idx %arg14[%add3A_13, %parallel_loop3A_415] : memref<32x128xf32, #tpu.memory_space<vmem>>[vector<16xi32>, vector<16xi32>], vector<16xf32>,
          %parallel_loop3A_419 = arith.mulf %parallel_loop3A_417, %parallel_loop3A_418 : vector<16xf32>
          %parallel_loop3A_420 = arith.mulf %parallel_loop3A_419, %parallel_loop3A_416 : vector<16xf32>
          %parallel_loop3A_421 = arith.addf %parallel_loop3A_406, %parallel_loop3A_420 : vector<16xf32>
          %parallel_loop3A_422 = tpu.vector_load_idx %arg12[%add3A_16, %parallel_loop3A_415] : memref<32x128xf32, #tpu.memory_space<vmem>>[vector<16xi32>, vector<16xi32>], vector<16xf32>,
          %parallel_loop3A_423 = tpu.vector_load_idx %arg14[%add3A_16, %parallel_loop3A_415] : memref<32x128xf32, #tpu.memory_space<vmem>>[vector<16xi32>, vector<16xi32>], vector<16xf32>,
          %parallel_loop3A_424 = arith.mulf %parallel_loop3A_422, %parallel_loop3A_423 : vector<16xf32>
          %parallel_loop3A_425 = arith.mulf %parallel_loop3A_424, %parallel_loop3A_416 : vector<16xf32>
          %parallel_loop3A_426 = arith.addf %parallel_loop3A_407, %parallel_loop3A_425 : vector<16xf32>
          scf.yield %parallel_loop3A_421, %parallel_loop3A_426 : vector<16xf32>, vector<16xf32>
        } {sc.loop_unroll_factor = 8 : i64, sc.parallel_access}
        %broadcast_in_dim3A_124 = arith.constant 0 : i32
        %broadcast_in_dim3A_125 = vector.broadcast %broadcast_in_dim3A_124 : i32 to vector<16xi32>
        %add3A_126 = arith.addi %broadcast_in_dim3A_125, %iota3A : vector<16xi32>
        %and3A = arith.constant 15 : i32
        %and3A_127 = vector.broadcast %and3A : i32 to vector<16xi32>
        %and3A_128 = arith.andi %add3A_126, %and3A_127 : vector<16xi32>
        %add3A_129 = arith.constant 128 : i32
        %add3A_130 = vector.broadcast %add3A_129 : i32 to vector<16xi32>
        %add3A_131 = arith.addi %and3A_128, %add3A_130 : vector<16xi32>
        %gather3A = tpu.vector_load_idx %arg20[%add3A_131] : memref<144xf32, #tpu.memory_space<vmem>>[vector<16xi32>], vector<16xf32>,
        %gather3A_132 = tpu.vector_load_idx %arg16[%add3A_13, %and3A_128] : memref<32x16xf32, #tpu.memory_space<vmem>>[vector<16xi32>, vector<16xi32>], vector<16xf32>,
        %mul3A_133 = arith.mulf %gather3A_132, %gather3A : vector<16xf32>
        %add3A_134 = arith.addf %parallel_loop3A_123#0, %mul3A_133 : vector<16xf32>
        %gather3A_135 = tpu.vector_load_idx %arg16[%add3A_16, %and3A_128] : memref<32x16xf32, #tpu.memory_space<vmem>>[vector<16xi32>, vector<16xi32>], vector<16xf32>,
        %mul3A_136 = arith.mulf %gather3A_135, %gather3A : vector<16xf32>
        %add3A_137 = arith.addf %parallel_loop3A_123#1, %mul3A_136 : vector<16xf32>
        %broadcast_in_dim3A_138 = arith.constant 1 : i32
        %broadcast_in_dim3A_139 = vector.broadcast %broadcast_in_dim3A_138 : i32 to vector<16xi32>
        %add3A_140 = arith.addi %broadcast_in_dim3A_139, %iota3A : vector<16xi32>
        %and3A_141 = arith.constant 15 : i32
        %and3A_142 = vector.broadcast %and3A_141 : i32 to vector<16xi32>
        %and3A_143 = arith.andi %add3A_140, %and3A_142 : vector<16xi32>
        %add3A_144 = arith.constant 128 : i32
        %add3A_145 = vector.broadcast %add3A_144 : i32 to vector<16xi32>
        %add3A_146 = arith.addi %and3A_143, %add3A_145 : vector<16xi32>
        %gather3A_147 = tpu.vector_load_idx %arg20[%add3A_146] : memref<144xf32, #tpu.memory_space<vmem>>[vector<16xi32>], vector<16xf32>,
        %gather3A_148 = tpu.vector_load_idx %arg16[%add3A_13, %and3A_143] : memref<32x16xf32, #tpu.memory_space<vmem>>[vector<16xi32>, vector<16xi32>], vector<16xf32>,
        %mul3A_149 = arith.mulf %gather3A_148, %gather3A_147 : vector<16xf32>
        %add3A_150 = arith.addf %add3A_134, %mul3A_149 : vector<16xf32>
        %gather3A_151 = tpu.vector_load_idx %arg16[%add3A_16, %and3A_143] : memref<32x16xf32, #tpu.memory_space<vmem>>[vector<16xi32>, vector<16xi32>], vector<16xf32>,
        %mul3A_152 = arith.mulf %gather3A_151, %gather3A_147 : vector<16xf32>
        %add3A_153 = arith.addf %add3A_137, %mul3A_152 : vector<16xf32>
        %broadcast_in_dim3A_154 = arith.constant 2 : i32
        %broadcast_in_dim3A_155 = vector.broadcast %broadcast_in_dim3A_154 : i32 to vector<16xi32>
        %add3A_156 = arith.addi %broadcast_in_dim3A_155, %iota3A : vector<16xi32>
        %and3A_157 = arith.constant 15 : i32
        %and3A_158 = vector.broadcast %and3A_157 : i32 to vector<16xi32>
        %and3A_159 = arith.andi %add3A_156, %and3A_158 : vector<16xi32>
        %add3A_160 = arith.constant 128 : i32
        %add3A_161 = vector.broadcast %add3A_160 : i32 to vector<16xi32>
        %add3A_162 = arith.addi %and3A_159, %add3A_161 : vector<16xi32>
        %gather3A_163 = tpu.vector_load_idx %arg20[%add3A_162] : memref<144xf32, #tpu.memory_space<vmem>>[vector<16xi32>], vector<16xf32>,
        %gather3A_164 = tpu.vector_load_idx %arg16[%add3A_13, %and3A_159] : memref<32x16xf32, #tpu.memory_space<vmem>>[vector<16xi32>, vector<16xi32>], vector<16xf32>,
        %mul3A_165 = arith.mulf %gather3A_164, %gather3A_163 : vector<16xf32>
        %add3A_166 = arith.addf %add3A_150, %mul3A_165 : vector<16xf32>
        %gather3A_167 = tpu.vector_load_idx %arg16[%add3A_16, %and3A_159] : memref<32x16xf32, #tpu.memory_space<vmem>>[vector<16xi32>, vector<16xi32>], vector<16xf32>,
        %mul3A_168 = arith.mulf %gather3A_167, %gather3A_163 : vector<16xf32>
        %add3A_169 = arith.addf %add3A_153, %mul3A_168 : vector<16xf32>
        %broadcast_in_dim3A_170 = arith.constant 3 : i32
        %broadcast_in_dim3A_171 = vector.broadcast %broadcast_in_dim3A_170 : i32 to vector<16xi32>
        %add3A_172 = arith.addi %broadcast_in_dim3A_171, %iota3A : vector<16xi32>
        %and3A_173 = arith.constant 15 : i32
        %and3A_174 = vector.broadcast %and3A_173 : i32 to vector<16xi32>
        %and3A_175 = arith.andi %add3A_172, %and3A_174 : vector<16xi32>
        %add3A_176 = arith.constant 128 : i32
        %add3A_177 = vector.broadcast %add3A_176 : i32 to vector<16xi32>
        %add3A_178 = arith.addi %and3A_175, %add3A_177 : vector<16xi32>
        %gather3A_179 = tpu.vector_load_idx %arg20[%add3A_178] : memref<144xf32, #tpu.memory_space<vmem>>[vector<16xi32>], vector<16xf32>,
        %gather3A_180 = tpu.vector_load_idx %arg16[%add3A_13, %and3A_175] : memref<32x16xf32, #tpu.memory_space<vmem>>[vector<16xi32>, vector<16xi32>], vector<16xf32>,
        %mul3A_181 = arith.mulf %gather3A_180, %gather3A_179 : vector<16xf32>
        %add3A_182 = arith.addf %add3A_166, %mul3A_181 : vector<16xf32>
        %gather3A_183 = tpu.vector_load_idx %arg16[%add3A_16, %and3A_175] : memref<32x16xf32, #tpu.memory_space<vmem>>[vector<16xi32>, vector<16xi32>], vector<16xf32>,
        %mul3A_184 = arith.mulf %gather3A_183, %gather3A_179 : vector<16xf32>
        %add3A_185 = arith.addf %add3A_169, %mul3A_184 : vector<16xf32>
        %broadcast_in_dim3A_186 = arith.constant 4 : i32
        %broadcast_in_dim3A_187 = vector.broadcast %broadcast_in_dim3A_186 : i32 to vector<16xi32>
        %add3A_188 = arith.addi %broadcast_in_dim3A_187, %iota3A : vector<16xi32>
        %and3A_189 = arith.constant 15 : i32
        %and3A_190 = vector.broadcast %and3A_189 : i32 to vector<16xi32>
        %and3A_191 = arith.andi %add3A_188, %and3A_190 : vector<16xi32>
        %add3A_192 = arith.constant 128 : i32
        %add3A_193 = vector.broadcast %add3A_192 : i32 to vector<16xi32>
        %add3A_194 = arith.addi %and3A_191, %add3A_193 : vector<16xi32>
        %gather3A_195 = tpu.vector_load_idx %arg20[%add3A_194] : memref<144xf32, #tpu.memory_space<vmem>>[vector<16xi32>], vector<16xf32>,
        %gather3A_196 = tpu.vector_load_idx %arg16[%add3A_13, %and3A_191] : memref<32x16xf32, #tpu.memory_space<vmem>>[vector<16xi32>, vector<16xi32>], vector<16xf32>,
        %mul3A_197 = arith.mulf %gather3A_196, %gather3A_195 : vector<16xf32>
        %add3A_198 = arith.addf %add3A_182, %mul3A_197 : vector<16xf32>
        %gather3A_199 = tpu.vector_load_idx %arg16[%add3A_16, %and3A_191] : memref<32x16xf32, #tpu.memory_space<vmem>>[vector<16xi32>, vector<16xi32>], vector<16xf32>,
        %mul3A_200 = arith.mulf %gather3A_199, %gather3A_195 : vector<16xf32>
        %add3A_201 = arith.addf %add3A_185, %mul3A_200 : vector<16xf32>
        %broadcast_in_dim3A_202 = arith.constant 5 : i32
        %broadcast_in_dim3A_203 = vector.broadcast %broadcast_in_dim3A_202 : i32 to vector<16xi32>
        %add3A_204 = arith.addi %broadcast_in_dim3A_203, %iota3A : vector<16xi32>
        %and3A_205 = arith.constant 15 : i32
        %and3A_206 = vector.broadcast %and3A_205 : i32 to vector<16xi32>
        %and3A_207 = arith.andi %add3A_204, %and3A_206 : vector<16xi32>
        %add3A_208 = arith.constant 128 : i32
        %add3A_209 = vector.broadcast %add3A_208 : i32 to vector<16xi32>
        %add3A_210 = arith.addi %and3A_207, %add3A_209 : vector<16xi32>
        %gather3A_211 = tpu.vector_load_idx %arg20[%add3A_210] : memref<144xf32, #tpu.memory_space<vmem>>[vector<16xi32>], vector<16xf32>,
        %gather3A_212 = tpu.vector_load_idx %arg16[%add3A_13, %and3A_207] : memref<32x16xf32, #tpu.memory_space<vmem>>[vector<16xi32>, vector<16xi32>], vector<16xf32>,
        %mul3A_213 = arith.mulf %gather3A_212, %gather3A_211 : vector<16xf32>
        %add3A_214 = arith.addf %add3A_198, %mul3A_213 : vector<16xf32>
        %gather3A_215 = tpu.vector_load_idx %arg16[%add3A_16, %and3A_207] : memref<32x16xf32, #tpu.memory_space<vmem>>[vector<16xi32>, vector<16xi32>], vector<16xf32>,
        %mul3A_216 = arith.mulf %gather3A_215, %gather3A_211 : vector<16xf32>
        %add3A_217 = arith.addf %add3A_201, %mul3A_216 : vector<16xf32>
        %broadcast_in_dim3A_218 = arith.constant 6 : i32
        %broadcast_in_dim3A_219 = vector.broadcast %broadcast_in_dim3A_218 : i32 to vector<16xi32>
        %add3A_220 = arith.addi %broadcast_in_dim3A_219, %iota3A : vector<16xi32>
        %and3A_221 = arith.constant 15 : i32
        %and3A_222 = vector.broadcast %and3A_221 : i32 to vector<16xi32>
        %and3A_223 = arith.andi %add3A_220, %and3A_222 : vector<16xi32>
        %add3A_224 = arith.constant 128 : i32
        %add3A_225 = vector.broadcast %add3A_224 : i32 to vector<16xi32>
        %add3A_226 = arith.addi %and3A_223, %add3A_225 : vector<16xi32>
        %gather3A_227 = tpu.vector_load_idx %arg20[%add3A_226] : memref<144xf32, #tpu.memory_space<vmem>>[vector<16xi32>], vector<16xf32>,
        %gather3A_228 = tpu.vector_load_idx %arg16[%add3A_13, %and3A_223] : memref<32x16xf32, #tpu.memory_space<vmem>>[vector<16xi32>, vector<16xi32>], vector<16xf32>,
        %mul3A_229 = arith.mulf %gather3A_228, %gather3A_227 : vector<16xf32>
        %add3A_230 = arith.addf %add3A_214, %mul3A_229 : vector<16xf32>
        %gather3A_231 = tpu.vector_load_idx %arg16[%add3A_16, %and3A_223] : memref<32x16xf32, #tpu.memory_space<vmem>>[vector<16xi32>, vector<16xi32>], vector<16xf32>,
        %mul3A_232 = arith.mulf %gather3A_231, %gather3A_227 : vector<16xf32>
        %add3A_233 = arith.addf %add3A_217, %mul3A_232 : vector<16xf32>
        %broadcast_in_dim3A_234 = arith.constant 7 : i32
        %broadcast_in_dim3A_235 = vector.broadcast %broadcast_in_dim3A_234 : i32 to vector<16xi32>
        %add3A_236 = arith.addi %broadcast_in_dim3A_235, %iota3A : vector<16xi32>
        %and3A_237 = arith.constant 15 : i32
        %and3A_238 = vector.broadcast %and3A_237 : i32 to vector<16xi32>
        %and3A_239 = arith.andi %add3A_236, %and3A_238 : vector<16xi32>
        %add3A_240 = arith.constant 128 : i32
        %add3A_241 = vector.broadcast %add3A_240 : i32 to vector<16xi32>
        %add3A_242 = arith.addi %and3A_239, %add3A_241 : vector<16xi32>
        %gather3A_243 = tpu.vector_load_idx %arg20[%add3A_242] : memref<144xf32, #tpu.memory_space<vmem>>[vector<16xi32>], vector<16xf32>,
        %gather3A_244 = tpu.vector_load_idx %arg16[%add3A_13, %and3A_239] : memref<32x16xf32, #tpu.memory_space<vmem>>[vector<16xi32>, vector<16xi32>], vector<16xf32>,
        %mul3A_245 = arith.mulf %gather3A_244, %gather3A_243 : vector<16xf32>
        %add3A_246 = arith.addf %add3A_230, %mul3A_245 : vector<16xf32>
        %gather3A_247 = tpu.vector_load_idx %arg16[%add3A_16, %and3A_239] : memref<32x16xf32, #tpu.memory_space<vmem>>[vector<16xi32>, vector<16xi32>], vector<16xf32>,
        %mul3A_248 = arith.mulf %gather3A_247, %gather3A_243 : vector<16xf32>
        %add3A_249 = arith.addf %add3A_233, %mul3A_248 : vector<16xf32>
        %broadcast_in_dim3A_250 = arith.constant 8 : i32
        %broadcast_in_dim3A_251 = vector.broadcast %broadcast_in_dim3A_250 : i32 to vector<16xi32>
        %add3A_252 = arith.addi %broadcast_in_dim3A_251, %iota3A : vector<16xi32>
        %and3A_253 = arith.constant 15 : i32
        %and3A_254 = vector.broadcast %and3A_253 : i32 to vector<16xi32>
        %and3A_255 = arith.andi %add3A_252, %and3A_254 : vector<16xi32>
        %add3A_256 = arith.constant 128 : i32
        %add3A_257 = vector.broadcast %add3A_256 : i32 to vector<16xi32>
        %add3A_258 = arith.addi %and3A_255, %add3A_257 : vector<16xi32>
        %gather3A_259 = tpu.vector_load_idx %arg20[%add3A_258] : memref<144xf32, #tpu.memory_space<vmem>>[vector<16xi32>], vector<16xf32>,
        %gather3A_260 = tpu.vector_load_idx %arg16[%add3A_13, %and3A_255] : memref<32x16xf32, #tpu.memory_space<vmem>>[vector<16xi32>, vector<16xi32>], vector<16xf32>,
        %mul3A_261 = arith.mulf %gather3A_260, %gather3A_259 : vector<16xf32>
        %add3A_262 = arith.addf %add3A_246, %mul3A_261 : vector<16xf32>
        %gather3A_263 = tpu.vector_load_idx %arg16[%add3A_16, %and3A_255] : memref<32x16xf32, #tpu.memory_space<vmem>>[vector<16xi32>, vector<16xi32>], vector<16xf32>,
        %mul3A_264 = arith.mulf %gather3A_263, %gather3A_259 : vector<16xf32>
        %add3A_265 = arith.addf %add3A_249, %mul3A_264 : vector<16xf32>
        %broadcast_in_dim3A_266 = arith.constant 9 : i32
        %broadcast_in_dim3A_267 = vector.broadcast %broadcast_in_dim3A_266 : i32 to vector<16xi32>
        %add3A_268 = arith.addi %broadcast_in_dim3A_267, %iota3A : vector<16xi32>
        %and3A_269 = arith.constant 15 : i32
        %and3A_270 = vector.broadcast %and3A_269 : i32 to vector<16xi32>
        %and3A_271 = arith.andi %add3A_268, %and3A_270 : vector<16xi32>
        %add3A_272 = arith.constant 128 : i32
        %add3A_273 = vector.broadcast %add3A_272 : i32 to vector<16xi32>
        %add3A_274 = arith.addi %and3A_271, %add3A_273 : vector<16xi32>
        %gather3A_275 = tpu.vector_load_idx %arg20[%add3A_274] : memref<144xf32, #tpu.memory_space<vmem>>[vector<16xi32>], vector<16xf32>,
        %gather3A_276 = tpu.vector_load_idx %arg16[%add3A_13, %and3A_271] : memref<32x16xf32, #tpu.memory_space<vmem>>[vector<16xi32>, vector<16xi32>], vector<16xf32>,
        %mul3A_277 = arith.mulf %gather3A_276, %gather3A_275 : vector<16xf32>
        %add3A_278 = arith.addf %add3A_262, %mul3A_277 : vector<16xf32>
        %gather3A_279 = tpu.vector_load_idx %arg16[%add3A_16, %and3A_271] : memref<32x16xf32, #tpu.memory_space<vmem>>[vector<16xi32>, vector<16xi32>], vector<16xf32>,
        %mul3A_280 = arith.mulf %gather3A_279, %gather3A_275 : vector<16xf32>
        %add3A_281 = arith.addf %add3A_265, %mul3A_280 : vector<16xf32>
        %broadcast_in_dim3A_282 = arith.constant 10 : i32
        %broadcast_in_dim3A_283 = vector.broadcast %broadcast_in_dim3A_282 : i32 to vector<16xi32>
        %add3A_284 = arith.addi %broadcast_in_dim3A_283, %iota3A : vector<16xi32>
        %and3A_285 = arith.constant 15 : i32
        %and3A_286 = vector.broadcast %and3A_285 : i32 to vector<16xi32>
        %and3A_287 = arith.andi %add3A_284, %and3A_286 : vector<16xi32>
        %add3A_288 = arith.constant 128 : i32
        %add3A_289 = vector.broadcast %add3A_288 : i32 to vector<16xi32>
        %add3A_290 = arith.addi %and3A_287, %add3A_289 : vector<16xi32>
        %gather3A_291 = tpu.vector_load_idx %arg20[%add3A_290] : memref<144xf32, #tpu.memory_space<vmem>>[vector<16xi32>], vector<16xf32>,
        %gather3A_292 = tpu.vector_load_idx %arg16[%add3A_13, %and3A_287] : memref<32x16xf32, #tpu.memory_space<vmem>>[vector<16xi32>, vector<16xi32>], vector<16xf32>,
        %mul3A_293 = arith.mulf %gather3A_292, %gather3A_291 : vector<16xf32>
        %add3A_294 = arith.addf %add3A_278, %mul3A_293 : vector<16xf32>
        %gather3A_295 = tpu.vector_load_idx %arg16[%add3A_16, %and3A_287] : memref<32x16xf32, #tpu.memory_space<vmem>>[vector<16xi32>, vector<16xi32>], vector<16xf32>,
        %mul3A_296 = arith.mulf %gather3A_295, %gather3A_291 : vector<16xf32>
        %add3A_297 = arith.addf %add3A_281, %mul3A_296 : vector<16xf32>
        %broadcast_in_dim3A_298 = arith.constant 11 : i32
        %broadcast_in_dim3A_299 = vector.broadcast %broadcast_in_dim3A_298 : i32 to vector<16xi32>
        %add3A_300 = arith.addi %broadcast_in_dim3A_299, %iota3A : vector<16xi32>
        %and3A_301 = arith.constant 15 : i32
        %and3A_302 = vector.broadcast %and3A_301 : i32 to vector<16xi32>
        %and3A_303 = arith.andi %add3A_300, %and3A_302 : vector<16xi32>
        %add3A_304 = arith.constant 128 : i32
        %add3A_305 = vector.broadcast %add3A_304 : i32 to vector<16xi32>
        %add3A_306 = arith.addi %and3A_303, %add3A_305 : vector<16xi32>
        %gather3A_307 = tpu.vector_load_idx %arg20[%add3A_306] : memref<144xf32, #tpu.memory_space<vmem>>[vector<16xi32>], vector<16xf32>,
        %gather3A_308 = tpu.vector_load_idx %arg16[%add3A_13, %and3A_303] : memref<32x16xf32, #tpu.memory_space<vmem>>[vector<16xi32>, vector<16xi32>], vector<16xf32>,
        %mul3A_309 = arith.mulf %gather3A_308, %gather3A_307 : vector<16xf32>
        %add3A_310 = arith.addf %add3A_294, %mul3A_309 : vector<16xf32>
        %gather3A_311 = tpu.vector_load_idx %arg16[%add3A_16, %and3A_303] : memref<32x16xf32, #tpu.memory_space<vmem>>[vector<16xi32>, vector<16xi32>], vector<16xf32>,
        %mul3A_312 = arith.mulf %gather3A_311, %gather3A_307 : vector<16xf32>
        %add3A_313 = arith.addf %add3A_297, %mul3A_312 : vector<16xf32>
        %broadcast_in_dim3A_314 = arith.constant 12 : i32
        %broadcast_in_dim3A_315 = vector.broadcast %broadcast_in_dim3A_314 : i32 to vector<16xi32>
        %add3A_316 = arith.addi %broadcast_in_dim3A_315, %iota3A : vector<16xi32>
        %and3A_317 = arith.constant 15 : i32
        %and3A_318 = vector.broadcast %and3A_317 : i32 to vector<16xi32>
        %and3A_319 = arith.andi %add3A_316, %and3A_318 : vector<16xi32>
        %add3A_320 = arith.constant 128 : i32
        %add3A_321 = vector.broadcast %add3A_320 : i32 to vector<16xi32>
        %add3A_322 = arith.addi %and3A_319, %add3A_321 : vector<16xi32>
        %gather3A_323 = tpu.vector_load_idx %arg20[%add3A_322] : memref<144xf32, #tpu.memory_space<vmem>>[vector<16xi32>], vector<16xf32>,
        %gather3A_324 = tpu.vector_load_idx %arg16[%add3A_13, %and3A_319] : memref<32x16xf32, #tpu.memory_space<vmem>>[vector<16xi32>, vector<16xi32>], vector<16xf32>,
        %mul3A_325 = arith.mulf %gather3A_324, %gather3A_323 : vector<16xf32>
        %add3A_326 = arith.addf %add3A_310, %mul3A_325 : vector<16xf32>
        %gather3A_327 = tpu.vector_load_idx %arg16[%add3A_16, %and3A_319] : memref<32x16xf32, #tpu.memory_space<vmem>>[vector<16xi32>, vector<16xi32>], vector<16xf32>,
        %mul3A_328 = arith.mulf %gather3A_327, %gather3A_323 : vector<16xf32>
        %add3A_329 = arith.addf %add3A_313, %mul3A_328 : vector<16xf32>
        %broadcast_in_dim3A_330 = arith.constant 13 : i32
        %broadcast_in_dim3A_331 = vector.broadcast %broadcast_in_dim3A_330 : i32 to vector<16xi32>
        %add3A_332 = arith.addi %broadcast_in_dim3A_331, %iota3A : vector<16xi32>
        %and3A_333 = arith.constant 15 : i32
        %and3A_334 = vector.broadcast %and3A_333 : i32 to vector<16xi32>
        %and3A_335 = arith.andi %add3A_332, %and3A_334 : vector<16xi32>
        %add3A_336 = arith.constant 128 : i32
        %add3A_337 = vector.broadcast %add3A_336 : i32 to vector<16xi32>
        %add3A_338 = arith.addi %and3A_335, %add3A_337 : vector<16xi32>
        %gather3A_339 = tpu.vector_load_idx %arg20[%add3A_338] : memref<144xf32, #tpu.memory_space<vmem>>[vector<16xi32>], vector<16xf32>,
        %gather3A_340 = tpu.vector_load_idx %arg16[%add3A_13, %and3A_335] : memref<32x16xf32, #tpu.memory_space<vmem>>[vector<16xi32>, vector<16xi32>], vector<16xf32>,
        %mul3A_341 = arith.mulf %gather3A_340, %gather3A_339 : vector<16xf32>
        %add3A_342 = arith.addf %add3A_326, %mul3A_341 : vector<16xf32>
        %gather3A_343 = tpu.vector_load_idx %arg16[%add3A_16, %and3A_335] : memref<32x16xf32, #tpu.memory_space<vmem>>[vector<16xi32>, vector<16xi32>], vector<16xf32>,
        %mul3A_344 = arith.mulf %gather3A_343, %gather3A_339 : vector<16xf32>
        %add3A_345 = arith.addf %add3A_329, %mul3A_344 : vector<16xf32>
        %broadcast_in_dim3A_346 = arith.constant 14 : i32
        %broadcast_in_dim3A_347 = vector.broadcast %broadcast_in_dim3A_346 : i32 to vector<16xi32>
        %add3A_348 = arith.addi %broadcast_in_dim3A_347, %iota3A : vector<16xi32>
        %and3A_349 = arith.constant 15 : i32
        %and3A_350 = vector.broadcast %and3A_349 : i32 to vector<16xi32>
        %and3A_351 = arith.andi %add3A_348, %and3A_350 : vector<16xi32>
        %add3A_352 = arith.constant 128 : i32
        %add3A_353 = vector.broadcast %add3A_352 : i32 to vector<16xi32>
        %add3A_354 = arith.addi %and3A_351, %add3A_353 : vector<16xi32>
        %gather3A_355 = tpu.vector_load_idx %arg20[%add3A_354] : memref<144xf32, #tpu.memory_space<vmem>>[vector<16xi32>], vector<16xf32>,
        %gather3A_356 = tpu.vector_load_idx %arg16[%add3A_13, %and3A_351] : memref<32x16xf32, #tpu.memory_space<vmem>>[vector<16xi32>, vector<16xi32>], vector<16xf32>,
        %mul3A_357 = arith.mulf %gather3A_356, %gather3A_355 : vector<16xf32>
        %add3A_358 = arith.addf %add3A_342, %mul3A_357 : vector<16xf32>
        %gather3A_359 = tpu.vector_load_idx %arg16[%add3A_16, %and3A_351] : memref<32x16xf32, #tpu.memory_space<vmem>>[vector<16xi32>, vector<16xi32>], vector<16xf32>,
        %mul3A_360 = arith.mulf %gather3A_359, %gather3A_355 : vector<16xf32>
        %add3A_361 = arith.addf %add3A_345, %mul3A_360 : vector<16xf32>
        %broadcast_in_dim3A_362 = arith.constant 15 : i32
        %broadcast_in_dim3A_363 = vector.broadcast %broadcast_in_dim3A_362 : i32 to vector<16xi32>
        %add3A_364 = arith.addi %broadcast_in_dim3A_363, %iota3A : vector<16xi32>
        %and3A_365 = arith.constant 15 : i32
        %and3A_366 = vector.broadcast %and3A_365 : i32 to vector<16xi32>
        %and3A_367 = arith.andi %add3A_364, %and3A_366 : vector<16xi32>
        %add3A_368 = arith.constant 128 : i32
        %add3A_369 = vector.broadcast %add3A_368 : i32 to vector<16xi32>
        %add3A_370 = arith.addi %and3A_367, %add3A_369 : vector<16xi32>
        %gather3A_371 = tpu.vector_load_idx %arg20[%add3A_370] : memref<144xf32, #tpu.memory_space<vmem>>[vector<16xi32>], vector<16xf32>,
        %gather3A_372 = tpu.vector_load_idx %arg16[%add3A_13, %and3A_367] : memref<32x16xf32, #tpu.memory_space<vmem>>[vector<16xi32>, vector<16xi32>], vector<16xf32>,
        %mul3A_373 = arith.mulf %gather3A_372, %gather3A_371 : vector<16xf32>
        %add3A_374 = arith.addf %add3A_358, %mul3A_373 : vector<16xf32>
        %gather3A_375 = tpu.vector_load_idx %arg16[%add3A_16, %and3A_367] : memref<32x16xf32, #tpu.memory_space<vmem>>[vector<16xi32>, vector<16xi32>], vector<16xf32>,
        %mul3A_376 = arith.mulf %gather3A_375, %gather3A_371 : vector<16xf32>
        %add3A_377 = arith.addf %add3A_361, %mul3A_376 : vector<16xf32>
        %neg3A = arith.constant 0.000000e+00 : f32
        %neg3A_378 = vector.broadcast %neg3A : f32 to vector<16xf32>
        %neg3A_379 = arith.subf %neg3A_378, %add3A_374 : vector<16xf32>
        %exp3A = math.exp %neg3A_379 : vector<16xf32>
        %add3A_380 = arith.constant 1.000000e+00 : f32
        %add3A_381 = vector.broadcast %add3A_380 : f32 to vector<16xf32>
        %add3A_382 = arith.addf %add3A_381, %exp3A : vector<16xf32>
        %div3A = arith.constant 1.000000e+00 : f32
        %div3A_383 = vector.broadcast %div3A : f32 to vector<16xf32>
        %div3A_384 = arith.divf %div3A_383, %add3A_382 : vector<16xf32>
        %swap3A = arith.constant 0 : index
        %swap3A_385 = tpu.vector_load %arg18[%swap3A] {strides = array<i32>} : memref<32xf32, #tpu.memory_space<vmem>>, vector<16xf32>,
        tpu.vector_store %arg18[%swap3A], %div3A_384 {strides = array<i32>} : memref<32xf32, #tpu.memory_space<vmem>>, vector<16xf32>,
        %neg3A_386 = arith.constant 0.000000e+00 : f32
        %neg3A_387 = vector.broadcast %neg3A_386 : f32 to vector<16xf32>
        %neg3A_388 = arith.subf %neg3A_387, %add3A_377 : vector<16xf32>
        %exp3A_389 = math.exp %neg3A_388 : vector<16xf32>
        %add3A_390 = arith.constant 1.000000e+00 : f32
        %add3A_391 = vector.broadcast %add3A_390 : f32 to vector<16xf32>
        %add3A_392 = arith.addf %add3A_391, %exp3A_389 : vector<16xf32>
        %div3A_393 = arith.constant 1.000000e+00 : f32
        %div3A_394 = vector.broadcast %div3A_393 : f32 to vector<16xf32>
        %div3A_395 = arith.divf %div3A_394, %add3A_392 : vector<16xf32>
        %swap3A_396 = arith.constant 16 : index
        %swap3A_397 = tpu.vector_load %arg18[%swap3A_396] {strides = array<i32>} : memref<32xf32, #tpu.memory_space<vmem>>, vector<16xf32>,
        tpu.vector_store %arg18[%swap3A_396], %div3A_395 {strides = array<i32>} : memref<32xf32, #tpu.memory_space<vmem>>, vector<16xf32>,
        %mul3A_398 = arith.constant 32 : i32
        %mul3A_399 = arith.muli %add3A_77, %mul3A_398 : i32
        %add3A_400 = arith.addi %add3A, %mul3A_399 : i32
        %mul3A_401 = arith.constant 32 : i32
        %mul3A_402 = arith.muli %add3A_400, %mul3A_401 : i32
        %dma_start3A_403 = tpu.memref_slice %arg7[%mul3A_402] : memref<320000xf32, #tpu.memory_space<hbm>> -> memref<32xf32, #tpu.memory_space<hbm>>
        %dma_start3A_404 = tpu.memref_slice %arg7[%mul3A_402] : memref<320000xf32, #tpu.memory_space<hbm>> -> memref<32xf32, #tpu.memory_space<hbm>>
        tpu.enqueue_dma source(%arg18 : memref<32xf32, #tpu.memory_space<vmem>>) target(%dma_start3A_404 : memref<32xf32, #tpu.memory_space<hbm>>) target_semaphore(%arg32 : memref<!tpu.dma_semaphore, #tpu.memory_space<semaphore_mem>>)
      } else {
      }
      %mul3A_82 = arith.constant 2 : i32
      %mul3A_83 = arith.muli %scan3A_73, %mul3A_82 : i32
      %add3A_84 = arith.constant 1 : i32
      %add3A_85 = arith.addi %mul3A_83, %add3A_84 : i32
      %lt3A_86 = arith.cmpi slt, %add3A_85, %add3A_10 : i32
      %convert_element_type3A_87 = arith.extui %lt3A_86 : i1 to i32
      %cond3A_88 = arith.constant 0 : i32
      %cond3A_89 = arith.cmpi ne, %convert_element_type3A_87, %cond3A_88 : i32
      scf.if %cond3A_89 {
        %dma_wait3A_90 = arith.constant 0 : i32
        %dma_wait3A_91 = arith.constant 0 : i32
        %dma_wait3A_92 = tpu.memref_slice %arg21[%dma_wait3A_90, %dma_wait3A_91] : memref<10000x128xf32, #tpu.memory_space<vmem_shared>> -> memref<10000x128xf32, #tpu.memory_space<vmem_shared>>
        tpu.wait_indirect_dma semaphore(%arg27 : memref<!tpu.dma_semaphore, #tpu.memory_space<semaphore_mem>>) src(%dma_wait3A_92 : memref<10000x128xf32, #tpu.memory_space<vmem_shared>>) dst(%arg13 : memref<32x128xf32, #tpu.memory_space<vmem>>)
        %dma_wait3A_93 = arith.constant 0 : i32
        %dma_wait3A_94 = arith.constant 0 : i32
        %dma_wait3A_95 = tpu.memref_slice %arg21[%dma_wait3A_93, %dma_wait3A_94] : memref<10000x128xf32, #tpu.memory_space<vmem_shared>> -> memref<10000x128xf32, #tpu.memory_space<vmem_shared>>
        tpu.wait_indirect_dma semaphore(%arg29 : memref<!tpu.dma_semaphore, #tpu.memory_space<semaphore_mem>>) src(%dma_wait3A_95 : memref<10000x128xf32, #tpu.memory_space<vmem_shared>>) dst(%arg15 : memref<32x128xf32, #tpu.memory_space<vmem>>)
        %dma_wait3A_96 = arith.constant 0 : i32
        %dma_wait3A_97 = arith.constant 0 : i32
        %dma_wait3A_98 = tpu.memref_slice %arg5[%dma_wait3A_96, %dma_wait3A_97] : memref<320000x16xf32, #tpu.memory_space<hbm>> -> memref<32x16xf32, #tpu.memory_space<hbm>>
        %dma_wait3A_99 = arith.constant 0 : i32
        %dma_wait3A_100 = arith.constant 0 : i32
        %dma_wait3A_101 = tpu.memref_slice %arg5[%dma_wait3A_99, %dma_wait3A_100] : memref<320000x16xf32, #tpu.memory_space<hbm>> -> memref<32x16xf32, #tpu.memory_space<hbm>>
        tpu.wait_dma2 semaphore(%arg31 : memref<!tpu.dma_semaphore, #tpu.memory_space<semaphore_mem>>) src(%dma_wait3A_101 : memref<32x16xf32, #tpu.memory_space<hbm>>) dst(%arg17 : memref<32x16xf32, #tpu.memory_space<vmem>>)
        %add3A_102 = arith.constant 1 : i32
        %add3A_103 = arith.addi %add3A_85, %add3A_102 : i32
        %lt3A_104 = arith.cmpi slt, %add3A_103, %add3A_10 : i32
        %convert_element_type3A_105 = arith.extui %lt3A_104 : i1 to i32
        %cond3A_106 = arith.constant 0 : i32
        %cond3A_107 = arith.cmpi ne, %convert_element_type3A_105, %cond3A_106 : i32
        scf.if %cond3A_107 {
          %dma_wait3A_405 = arith.constant 0 : i32
          %dma_wait3A_406 = tpu.memref_slice %arg3[%dma_wait3A_405] : memref<320000xi32, #tpu.memory_space<hbm>> -> memref<32xi32, #tpu.memory_space<hbm>>
          %dma_wait3A_407 = arith.constant 0 : i32
          %dma_wait3A_408 = tpu.memref_slice %arg3[%dma_wait3A_407] : memref<320000xi32, #tpu.memory_space<hbm>> -> memref<32xi32, #tpu.memory_space<hbm>>
          tpu.wait_dma2 semaphore(%arg22 : memref<!tpu.dma_semaphore, #tpu.memory_space<semaphore_mem>>) src(%dma_wait3A_408 : memref<32xi32, #tpu.memory_space<hbm>>) dst(%arg8 : memref<32xi32, #tpu.memory_space<vmem>>)
          %dma_wait3A_409 = arith.constant 0 : i32
          %dma_wait3A_410 = tpu.memref_slice %arg4[%dma_wait3A_409] : memref<320000xi32, #tpu.memory_space<hbm>> -> memref<32xi32, #tpu.memory_space<hbm>>
          %dma_wait3A_411 = arith.constant 0 : i32
          %dma_wait3A_412 = tpu.memref_slice %arg4[%dma_wait3A_411] : memref<320000xi32, #tpu.memory_space<hbm>> -> memref<32xi32, #tpu.memory_space<hbm>>
          tpu.wait_dma2 semaphore(%arg24 : memref<!tpu.dma_semaphore, #tpu.memory_space<semaphore_mem>>) src(%dma_wait3A_412 : memref<32xi32, #tpu.memory_space<hbm>>) dst(%arg10 : memref<32xi32, #tpu.memory_space<vmem>>)
          %add3A_413 = arith.constant 1 : i32
          %add3A_414 = arith.addi %add3A_85, %add3A_413 : i32
          %dma_start3A_415 = arith.constant 0 : i32
          %dma_start3A_416 = arith.constant 0 : i32
          %dma_start3A_417 = tpu.memref_slice %arg21[%dma_start3A_415, %dma_start3A_416] : memref<10000x128xf32, #tpu.memory_space<vmem_shared>> -> memref<10000x128xf32, #tpu.memory_space<vmem_shared>>
          tpu.enqueue_indirect_dma source(%dma_start3A_417 : memref<10000x128xf32, #tpu.memory_space<vmem_shared>>) target(%arg12 : memref<32x128xf32, #tpu.memory_space<vmem>>) offsets(%arg8 : memref<32xi32, #tpu.memory_space<vmem>>) semaphore(%arg26 : memref<!tpu.dma_semaphore, #tpu.memory_space<semaphore_mem>>)
          %dma_start3A_418 = arith.constant 0 : i32
          %dma_start3A_419 = arith.constant 0 : i32
          %dma_start3A_420 = tpu.memref_slice %arg21[%dma_start3A_418, %dma_start3A_419] : memref<10000x128xf32, #tpu.memory_space<vmem_shared>> -> memref<10000x128xf32, #tpu.memory_space<vmem_shared>>
          tpu.enqueue_indirect_dma source(%dma_start3A_420 : memref<10000x128xf32, #tpu.memory_space<vmem_shared>>) target(%arg14 : memref<32x128xf32, #tpu.memory_space<vmem>>) offsets(%arg10 : memref<32xi32, #tpu.memory_space<vmem>>) semaphore(%arg28 : memref<!tpu.dma_semaphore, #tpu.memory_space<semaphore_mem>>)
          %mul3A_421 = arith.constant 32 : i32
          %mul3A_422 = arith.muli %add3A_414, %mul3A_421 : i32
          %add3A_423 = arith.addi %add3A, %mul3A_422 : i32
          %mul3A_424 = arith.constant 32 : i32
          %mul3A_425 = arith.muli %add3A_423, %mul3A_424 : i32
          %dma_start3A_426 = arith.constant 0 : i32
          %dma_start3A_427 = tpu.memref_slice %arg5[%mul3A_425, %dma_start3A_426] : memref<320000x16xf32, #tpu.memory_space<hbm>> -> memref<32x16xf32, #tpu.memory_space<hbm>>
          %dma_start3A_428 = arith.constant 0 : i32
          %dma_start3A_429 = tpu.memref_slice %arg5[%mul3A_425, %dma_start3A_428] : memref<320000x16xf32, #tpu.memory_space<hbm>> -> memref<32x16xf32, #tpu.memory_space<hbm>>
          tpu.enqueue_dma source(%dma_start3A_429 : memref<32x16xf32, #tpu.memory_space<hbm>>) target(%arg16 : memref<32x16xf32, #tpu.memory_space<vmem>>) target_semaphore(%arg30 : memref<!tpu.dma_semaphore, #tpu.memory_space<semaphore_mem>>)
        } else {
        }
        %add3A_108 = arith.constant 2 : i32
        %add3A_109 = arith.addi %add3A_85, %add3A_108 : i32
        %lt3A_110 = arith.cmpi slt, %add3A_109, %add3A_10 : i32
        %convert_element_type3A_111 = arith.extui %lt3A_110 : i1 to i32
        %cond3A_112 = arith.constant 0 : i32
        %cond3A_113 = arith.cmpi ne, %convert_element_type3A_111, %cond3A_112 : i32
        scf.if %cond3A_113 {
          %add3A_405 = arith.constant 2 : i32
          %add3A_406 = arith.addi %add3A_85, %add3A_405 : i32
          %mul3A_407 = arith.constant 32 : i32
          %mul3A_408 = arith.muli %add3A_406, %mul3A_407 : i32
          %add3A_409 = arith.addi %add3A, %mul3A_408 : i32
          %mul3A_410 = arith.constant 32 : i32
          %mul3A_411 = arith.muli %add3A_409, %mul3A_410 : i32
          %dma_start3A_412 = tpu.memref_slice %arg3[%mul3A_411] : memref<320000xi32, #tpu.memory_space<hbm>> -> memref<32xi32, #tpu.memory_space<hbm>>
          %dma_start3A_413 = tpu.memref_slice %arg3[%mul3A_411] : memref<320000xi32, #tpu.memory_space<hbm>> -> memref<32xi32, #tpu.memory_space<hbm>>
          tpu.enqueue_dma source(%dma_start3A_413 : memref<32xi32, #tpu.memory_space<hbm>>) target(%arg9 : memref<32xi32, #tpu.memory_space<vmem>>) target_semaphore(%arg23 : memref<!tpu.dma_semaphore, #tpu.memory_space<semaphore_mem>>)
          %mul3A_414 = arith.constant 32 : i32
          %mul3A_415 = arith.muli %add3A_406, %mul3A_414 : i32
          %add3A_416 = arith.addi %add3A, %mul3A_415 : i32
          %mul3A_417 = arith.constant 32 : i32
          %mul3A_418 = arith.muli %add3A_416, %mul3A_417 : i32
          %dma_start3A_419 = tpu.memref_slice %arg4[%mul3A_418] : memref<320000xi32, #tpu.memory_space<hbm>> -> memref<32xi32, #tpu.memory_space<hbm>>
          %dma_start3A_420 = tpu.memref_slice %arg4[%mul3A_418] : memref<320000xi32, #tpu.memory_space<hbm>> -> memref<32xi32, #tpu.memory_space<hbm>>
          tpu.enqueue_dma source(%dma_start3A_420 : memref<32xi32, #tpu.memory_space<hbm>>) target(%arg11 : memref<32xi32, #tpu.memory_space<vmem>>) target_semaphore(%arg25 : memref<!tpu.dma_semaphore, #tpu.memory_space<semaphore_mem>>)
        } else {
        }
        %ge3A = arith.constant 2 : i32
        %ge3A_114 = arith.cmpi sge, %add3A_85, %ge3A : i32
        %convert_element_type3A_115 = arith.extui %ge3A_114 : i1 to i32
        %cond3A_116 = arith.constant 0 : i32
        %cond3A_117 = arith.cmpi ne, %convert_element_type3A_115, %cond3A_116 : i32
        scf.if %cond3A_117 {
          %dma_wait3A_405 = arith.constant 0 : i32
          %dma_wait3A_406 = tpu.memref_slice %arg7[%dma_wait3A_405] : memref<320000xf32, #tpu.memory_space<hbm>> -> memref<32xf32, #tpu.memory_space<hbm>>
          %dma_wait3A_407 = arith.constant 0 : i32
          %dma_wait3A_408 = tpu.memref_slice %arg7[%dma_wait3A_407] : memref<320000xf32, #tpu.memory_space<hbm>> -> memref<32xf32, #tpu.memory_space<hbm>>
          tpu.wait_dma2 semaphore(%arg33 : memref<!tpu.dma_semaphore, #tpu.memory_space<semaphore_mem>>) src(%arg19 : memref<32xf32, #tpu.memory_space<vmem>>) dst(%dma_wait3A_408 : memref<32xf32, #tpu.memory_space<hbm>>)
        } else {
        }
        %broadcast_in_dim3A = arith.constant 0.000000e+00 : f32
        %broadcast_in_dim3A_118 = vector.broadcast %broadcast_in_dim3A : f32 to vector<16xf32>
        %broadcast_in_dim3A_119 = arith.constant 0.000000e+00 : f32
        %broadcast_in_dim3A_120 = vector.broadcast %broadcast_in_dim3A_119 : f32 to vector<16xf32>
        %parallel_loop3A = arith.constant 0 : i32
        %parallel_loop3A_121 = arith.constant 128 : i32
        %parallel_loop3A_122 = arith.constant 1 : i32
        %parallel_loop3A_123:2 = scf.for %parallel_loop3A_405 = %parallel_loop3A to %parallel_loop3A_121 step %parallel_loop3A_122 iter_args(%parallel_loop3A_406 = %broadcast_in_dim3A_118, %parallel_loop3A_407 = %broadcast_in_dim3A_120) -> (vector<16xf32>, vector<16xf32>)  : i32 {
          %parallel_loop3A_408 = arith.constant 0 : i32
          %parallel_loop3A_409 = vector.broadcast %parallel_loop3A_408 : i32 to vector<16xi32>
          %parallel_loop3A_410 = vector.broadcast %parallel_loop3A_405 : i32 to vector<16xi32>
          %parallel_loop3A_411 = arith.addi %parallel_loop3A_409, %parallel_loop3A_410 : vector<16xi32>
          %parallel_loop3A_412 = arith.addi %parallel_loop3A_411, %iota3A : vector<16xi32>
          %parallel_loop3A_413 = arith.constant 127 : i32
          %parallel_loop3A_414 = vector.broadcast %parallel_loop3A_413 : i32 to vector<16xi32>
          %parallel_loop3A_415 = arith.andi %parallel_loop3A_412, %parallel_loop3A_414 : vector<16xi32>
          %parallel_loop3A_416 = tpu.vector_load_idx %arg20[%parallel_loop3A_415] : memref<144xf32, #tpu.memory_space<vmem>>[vector<16xi32>], vector<16xf32>,
          %parallel_loop3A_417 = tpu.vector_load_idx %arg13[%add3A_13, %parallel_loop3A_415] : memref<32x128xf32, #tpu.memory_space<vmem>>[vector<16xi32>, vector<16xi32>], vector<16xf32>,
          %parallel_loop3A_418 = tpu.vector_load_idx %arg15[%add3A_13, %parallel_loop3A_415] : memref<32x128xf32, #tpu.memory_space<vmem>>[vector<16xi32>, vector<16xi32>], vector<16xf32>,
          %parallel_loop3A_419 = arith.mulf %parallel_loop3A_417, %parallel_loop3A_418 : vector<16xf32>
          %parallel_loop3A_420 = arith.mulf %parallel_loop3A_419, %parallel_loop3A_416 : vector<16xf32>
          %parallel_loop3A_421 = arith.addf %parallel_loop3A_406, %parallel_loop3A_420 : vector<16xf32>
          %parallel_loop3A_422 = tpu.vector_load_idx %arg13[%add3A_16, %parallel_loop3A_415] : memref<32x128xf32, #tpu.memory_space<vmem>>[vector<16xi32>, vector<16xi32>], vector<16xf32>,
          %parallel_loop3A_423 = tpu.vector_load_idx %arg15[%add3A_16, %parallel_loop3A_415] : memref<32x128xf32, #tpu.memory_space<vmem>>[vector<16xi32>, vector<16xi32>], vector<16xf32>,
          %parallel_loop3A_424 = arith.mulf %parallel_loop3A_422, %parallel_loop3A_423 : vector<16xf32>
          %parallel_loop3A_425 = arith.mulf %parallel_loop3A_424, %parallel_loop3A_416 : vector<16xf32>
          %parallel_loop3A_426 = arith.addf %parallel_loop3A_407, %parallel_loop3A_425 : vector<16xf32>
          scf.yield %parallel_loop3A_421, %parallel_loop3A_426 : vector<16xf32>, vector<16xf32>
        } {sc.loop_unroll_factor = 8 : i64, sc.parallel_access}
        %broadcast_in_dim3A_124 = arith.constant 0 : i32
        %broadcast_in_dim3A_125 = vector.broadcast %broadcast_in_dim3A_124 : i32 to vector<16xi32>
        %add3A_126 = arith.addi %broadcast_in_dim3A_125, %iota3A : vector<16xi32>
        %and3A = arith.constant 15 : i32
        %and3A_127 = vector.broadcast %and3A : i32 to vector<16xi32>
        %and3A_128 = arith.andi %add3A_126, %and3A_127 : vector<16xi32>
        %add3A_129 = arith.constant 128 : i32
        %add3A_130 = vector.broadcast %add3A_129 : i32 to vector<16xi32>
        %add3A_131 = arith.addi %and3A_128, %add3A_130 : vector<16xi32>
        %gather3A = tpu.vector_load_idx %arg20[%add3A_131] : memref<144xf32, #tpu.memory_space<vmem>>[vector<16xi32>], vector<16xf32>,
        %gather3A_132 = tpu.vector_load_idx %arg17[%add3A_13, %and3A_128] : memref<32x16xf32, #tpu.memory_space<vmem>>[vector<16xi32>, vector<16xi32>], vector<16xf32>,
        %mul3A_133 = arith.mulf %gather3A_132, %gather3A : vector<16xf32>
        %add3A_134 = arith.addf %parallel_loop3A_123#0, %mul3A_133 : vector<16xf32>
        %gather3A_135 = tpu.vector_load_idx %arg17[%add3A_16, %and3A_128] : memref<32x16xf32, #tpu.memory_space<vmem>>[vector<16xi32>, vector<16xi32>], vector<16xf32>,
        %mul3A_136 = arith.mulf %gather3A_135, %gather3A : vector<16xf32>
        %add3A_137 = arith.addf %parallel_loop3A_123#1, %mul3A_136 : vector<16xf32>
        %broadcast_in_dim3A_138 = arith.constant 1 : i32
        %broadcast_in_dim3A_139 = vector.broadcast %broadcast_in_dim3A_138 : i32 to vector<16xi32>
        %add3A_140 = arith.addi %broadcast_in_dim3A_139, %iota3A : vector<16xi32>
        %and3A_141 = arith.constant 15 : i32
        %and3A_142 = vector.broadcast %and3A_141 : i32 to vector<16xi32>
        %and3A_143 = arith.andi %add3A_140, %and3A_142 : vector<16xi32>
        %add3A_144 = arith.constant 128 : i32
        %add3A_145 = vector.broadcast %add3A_144 : i32 to vector<16xi32>
        %add3A_146 = arith.addi %and3A_143, %add3A_145 : vector<16xi32>
        %gather3A_147 = tpu.vector_load_idx %arg20[%add3A_146] : memref<144xf32, #tpu.memory_space<vmem>>[vector<16xi32>], vector<16xf32>,
        %gather3A_148 = tpu.vector_load_idx %arg17[%add3A_13, %and3A_143] : memref<32x16xf32, #tpu.memory_space<vmem>>[vector<16xi32>, vector<16xi32>], vector<16xf32>,
        %mul3A_149 = arith.mulf %gather3A_148, %gather3A_147 : vector<16xf32>
        %add3A_150 = arith.addf %add3A_134, %mul3A_149 : vector<16xf32>
        %gather3A_151 = tpu.vector_load_idx %arg17[%add3A_16, %and3A_143] : memref<32x16xf32, #tpu.memory_space<vmem>>[vector<16xi32>, vector<16xi32>], vector<16xf32>,
        %mul3A_152 = arith.mulf %gather3A_151, %gather3A_147 : vector<16xf32>
        %add3A_153 = arith.addf %add3A_137, %mul3A_152 : vector<16xf32>
        %broadcast_in_dim3A_154 = arith.constant 2 : i32
        %broadcast_in_dim3A_155 = vector.broadcast %broadcast_in_dim3A_154 : i32 to vector<16xi32>
        %add3A_156 = arith.addi %broadcast_in_dim3A_155, %iota3A : vector<16xi32>
        %and3A_157 = arith.constant 15 : i32
        %and3A_158 = vector.broadcast %and3A_157 : i32 to vector<16xi32>
        %and3A_159 = arith.andi %add3A_156, %and3A_158 : vector<16xi32>
        %add3A_160 = arith.constant 128 : i32
        %add3A_161 = vector.broadcast %add3A_160 : i32 to vector<16xi32>
        %add3A_162 = arith.addi %and3A_159, %add3A_161 : vector<16xi32>
        %gather3A_163 = tpu.vector_load_idx %arg20[%add3A_162] : memref<144xf32, #tpu.memory_space<vmem>>[vector<16xi32>], vector<16xf32>,
        %gather3A_164 = tpu.vector_load_idx %arg17[%add3A_13, %and3A_159] : memref<32x16xf32, #tpu.memory_space<vmem>>[vector<16xi32>, vector<16xi32>], vector<16xf32>,
        %mul3A_165 = arith.mulf %gather3A_164, %gather3A_163 : vector<16xf32>
        %add3A_166 = arith.addf %add3A_150, %mul3A_165 : vector<16xf32>
        %gather3A_167 = tpu.vector_load_idx %arg17[%add3A_16, %and3A_159] : memref<32x16xf32, #tpu.memory_space<vmem>>[vector<16xi32>, vector<16xi32>], vector<16xf32>,
        %mul3A_168 = arith.mulf %gather3A_167, %gather3A_163 : vector<16xf32>
        %add3A_169 = arith.addf %add3A_153, %mul3A_168 : vector<16xf32>
        %broadcast_in_dim3A_170 = arith.constant 3 : i32
        %broadcast_in_dim3A_171 = vector.broadcast %broadcast_in_dim3A_170 : i32 to vector<16xi32>
        %add3A_172 = arith.addi %broadcast_in_dim3A_171, %iota3A : vector<16xi32>
        %and3A_173 = arith.constant 15 : i32
        %and3A_174 = vector.broadcast %and3A_173 : i32 to vector<16xi32>
        %and3A_175 = arith.andi %add3A_172, %and3A_174 : vector<16xi32>
        %add3A_176 = arith.constant 128 : i32
        %add3A_177 = vector.broadcast %add3A_176 : i32 to vector<16xi32>
        %add3A_178 = arith.addi %and3A_175, %add3A_177 : vector<16xi32>
        %gather3A_179 = tpu.vector_load_idx %arg20[%add3A_178] : memref<144xf32, #tpu.memory_space<vmem>>[vector<16xi32>], vector<16xf32>,
        %gather3A_180 = tpu.vector_load_idx %arg17[%add3A_13, %and3A_175] : memref<32x16xf32, #tpu.memory_space<vmem>>[vector<16xi32>, vector<16xi32>], vector<16xf32>,
        %mul3A_181 = arith.mulf %gather3A_180, %gather3A_179 : vector<16xf32>
        %add3A_182 = arith.addf %add3A_166, %mul3A_181 : vector<16xf32>
        %gather3A_183 = tpu.vector_load_idx %arg17[%add3A_16, %and3A_175] : memref<32x16xf32, #tpu.memory_space<vmem>>[vector<16xi32>, vector<16xi32>], vector<16xf32>,
        %mul3A_184 = arith.mulf %gather3A_183, %gather3A_179 : vector<16xf32>
        %add3A_185 = arith.addf %add3A_169, %mul3A_184 : vector<16xf32>
        %broadcast_in_dim3A_186 = arith.constant 4 : i32
        %broadcast_in_dim3A_187 = vector.broadcast %broadcast_in_dim3A_186 : i32 to vector<16xi32>
        %add3A_188 = arith.addi %broadcast_in_dim3A_187, %iota3A : vector<16xi32>
        %and3A_189 = arith.constant 15 : i32
        %and3A_190 = vector.broadcast %and3A_189 : i32 to vector<16xi32>
        %and3A_191 = arith.andi %add3A_188, %and3A_190 : vector<16xi32>
        %add3A_192 = arith.constant 128 : i32
        %add3A_193 = vector.broadcast %add3A_192 : i32 to vector<16xi32>
        %add3A_194 = arith.addi %and3A_191, %add3A_193 : vector<16xi32>
        %gather3A_195 = tpu.vector_load_idx %arg20[%add3A_194] : memref<144xf32, #tpu.memory_space<vmem>>[vector<16xi32>], vector<16xf32>,
        %gather3A_196 = tpu.vector_load_idx %arg17[%add3A_13, %and3A_191] : memref<32x16xf32, #tpu.memory_space<vmem>>[vector<16xi32>, vector<16xi32>], vector<16xf32>,
        %mul3A_197 = arith.mulf %gather3A_196, %gather3A_195 : vector<16xf32>
        %add3A_198 = arith.addf %add3A_182, %mul3A_197 : vector<16xf32>
        %gather3A_199 = tpu.vector_load_idx %arg17[%add3A_16, %and3A_191] : memref<32x16xf32, #tpu.memory_space<vmem>>[vector<16xi32>, vector<16xi32>], vector<16xf32>,
        %mul3A_200 = arith.mulf %gather3A_199, %gather3A_195 : vector<16xf32>
        %add3A_201 = arith.addf %add3A_185, %mul3A_200 : vector<16xf32>
        %broadcast_in_dim3A_202 = arith.constant 5 : i32
        %broadcast_in_dim3A_203 = vector.broadcast %broadcast_in_dim3A_202 : i32 to vector<16xi32>
        %add3A_204 = arith.addi %broadcast_in_dim3A_203, %iota3A : vector<16xi32>
        %and3A_205 = arith.constant 15 : i32
        %and3A_206 = vector.broadcast %and3A_205 : i32 to vector<16xi32>
        %and3A_207 = arith.andi %add3A_204, %and3A_206 : vector<16xi32>
        %add3A_208 = arith.constant 128 : i32
        %add3A_209 = vector.broadcast %add3A_208 : i32 to vector<16xi32>
        %add3A_210 = arith.addi %and3A_207, %add3A_209 : vector<16xi32>
        %gather3A_211 = tpu.vector_load_idx %arg20[%add3A_210] : memref<144xf32, #tpu.memory_space<vmem>>[vector<16xi32>], vector<16xf32>,
        %gather3A_212 = tpu.vector_load_idx %arg17[%add3A_13, %and3A_207] : memref<32x16xf32, #tpu.memory_space<vmem>>[vector<16xi32>, vector<16xi32>], vector<16xf32>,
        %mul3A_213 = arith.mulf %gather3A_212, %gather3A_211 : vector<16xf32>
        %add3A_214 = arith.addf %add3A_198, %mul3A_213 : vector<16xf32>
        %gather3A_215 = tpu.vector_load_idx %arg17[%add3A_16, %and3A_207] : memref<32x16xf32, #tpu.memory_space<vmem>>[vector<16xi32>, vector<16xi32>], vector<16xf32>,
        %mul3A_216 = arith.mulf %gather3A_215, %gather3A_211 : vector<16xf32>
        %add3A_217 = arith.addf %add3A_201, %mul3A_216 : vector<16xf32>
        %broadcast_in_dim3A_218 = arith.constant 6 : i32
        %broadcast_in_dim3A_219 = vector.broadcast %broadcast_in_dim3A_218 : i32 to vector<16xi32>
        %add3A_220 = arith.addi %broadcast_in_dim3A_219, %iota3A : vector<16xi32>
        %and3A_221 = arith.constant 15 : i32
        %and3A_222 = vector.broadcast %and3A_221 : i32 to vector<16xi32>
        %and3A_223 = arith.andi %add3A_220, %and3A_222 : vector<16xi32>
        %add3A_224 = arith.constant 128 : i32
        %add3A_225 = vector.broadcast %add3A_224 : i32 to vector<16xi32>
        %add3A_226 = arith.addi %and3A_223, %add3A_225 : vector<16xi32>
        %gather3A_227 = tpu.vector_load_idx %arg20[%add3A_226] : memref<144xf32, #tpu.memory_space<vmem>>[vector<16xi32>], vector<16xf32>,
        %gather3A_228 = tpu.vector_load_idx %arg17[%add3A_13, %and3A_223] : memref<32x16xf32, #tpu.memory_space<vmem>>[vector<16xi32>, vector<16xi32>], vector<16xf32>,
        %mul3A_229 = arith.mulf %gather3A_228, %gather3A_227 : vector<16xf32>
        %add3A_230 = arith.addf %add3A_214, %mul3A_229 : vector<16xf32>
        %gather3A_231 = tpu.vector_load_idx %arg17[%add3A_16, %and3A_223] : memref<32x16xf32, #tpu.memory_space<vmem>>[vector<16xi32>, vector<16xi32>], vector<16xf32>,
        %mul3A_232 = arith.mulf %gather3A_231, %gather3A_227 : vector<16xf32>
        %add3A_233 = arith.addf %add3A_217, %mul3A_232 : vector<16xf32>
        %broadcast_in_dim3A_234 = arith.constant 7 : i32
        %broadcast_in_dim3A_235 = vector.broadcast %broadcast_in_dim3A_234 : i32 to vector<16xi32>
        %add3A_236 = arith.addi %broadcast_in_dim3A_235, %iota3A : vector<16xi32>
        %and3A_237 = arith.constant 15 : i32
        %and3A_238 = vector.broadcast %and3A_237 : i32 to vector<16xi32>
        %and3A_239 = arith.andi %add3A_236, %and3A_238 : vector<16xi32>
        %add3A_240 = arith.constant 128 : i32
        %add3A_241 = vector.broadcast %add3A_240 : i32 to vector<16xi32>
        %add3A_242 = arith.addi %and3A_239, %add3A_241 : vector<16xi32>
        %gather3A_243 = tpu.vector_load_idx %arg20[%add3A_242] : memref<144xf32, #tpu.memory_space<vmem>>[vector<16xi32>], vector<16xf32>,
        %gather3A_244 = tpu.vector_load_idx %arg17[%add3A_13, %and3A_239] : memref<32x16xf32, #tpu.memory_space<vmem>>[vector<16xi32>, vector<16xi32>], vector<16xf32>,
        %mul3A_245 = arith.mulf %gather3A_244, %gather3A_243 : vector<16xf32>
        %add3A_246 = arith.addf %add3A_230, %mul3A_245 : vector<16xf32>
        %gather3A_247 = tpu.vector_load_idx %arg17[%add3A_16, %and3A_239] : memref<32x16xf32, #tpu.memory_space<vmem>>[vector<16xi32>, vector<16xi32>], vector<16xf32>,
        %mul3A_248 = arith.mulf %gather3A_247, %gather3A_243 : vector<16xf32>
        %add3A_249 = arith.addf %add3A_233, %mul3A_248 : vector<16xf32>
        %broadcast_in_dim3A_250 = arith.constant 8 : i32
        %broadcast_in_dim3A_251 = vector.broadcast %broadcast_in_dim3A_250 : i32 to vector<16xi32>
        %add3A_252 = arith.addi %broadcast_in_dim3A_251, %iota3A : vector<16xi32>
        %and3A_253 = arith.constant 15 : i32
        %and3A_254 = vector.broadcast %and3A_253 : i32 to vector<16xi32>
        %and3A_255 = arith.andi %add3A_252, %and3A_254 : vector<16xi32>
        %add3A_256 = arith.constant 128 : i32
        %add3A_257 = vector.broadcast %add3A_256 : i32 to vector<16xi32>
        %add3A_258 = arith.addi %and3A_255, %add3A_257 : vector<16xi32>
        %gather3A_259 = tpu.vector_load_idx %arg20[%add3A_258] : memref<144xf32, #tpu.memory_space<vmem>>[vector<16xi32>], vector<16xf32>,
        %gather3A_260 = tpu.vector_load_idx %arg17[%add3A_13, %and3A_255] : memref<32x16xf32, #tpu.memory_space<vmem>>[vector<16xi32>, vector<16xi32>], vector<16xf32>,
        %mul3A_261 = arith.mulf %gather3A_260, %gather3A_259 : vector<16xf32>
        %add3A_262 = arith.addf %add3A_246, %mul3A_261 : vector<16xf32>
        %gather3A_263 = tpu.vector_load_idx %arg17[%add3A_16, %and3A_255] : memref<32x16xf32, #tpu.memory_space<vmem>>[vector<16xi32>, vector<16xi32>], vector<16xf32>,
        %mul3A_264 = arith.mulf %gather3A_263, %gather3A_259 : vector<16xf32>
        %add3A_265 = arith.addf %add3A_249, %mul3A_264 : vector<16xf32>
        %broadcast_in_dim3A_266 = arith.constant 9 : i32
        %broadcast_in_dim3A_267 = vector.broadcast %broadcast_in_dim3A_266 : i32 to vector<16xi32>
        %add3A_268 = arith.addi %broadcast_in_dim3A_267, %iota3A : vector<16xi32>
        %and3A_269 = arith.constant 15 : i32
        %and3A_270 = vector.broadcast %and3A_269 : i32 to vector<16xi32>
        %and3A_271 = arith.andi %add3A_268, %and3A_270 : vector<16xi32>
        %add3A_272 = arith.constant 128 : i32
        %add3A_273 = vector.broadcast %add3A_272 : i32 to vector<16xi32>
        %add3A_274 = arith.addi %and3A_271, %add3A_273 : vector<16xi32>
        %gather3A_275 = tpu.vector_load_idx %arg20[%add3A_274] : memref<144xf32, #tpu.memory_space<vmem>>[vector<16xi32>], vector<16xf32>,
        %gather3A_276 = tpu.vector_load_idx %arg17[%add3A_13, %and3A_271] : memref<32x16xf32, #tpu.memory_space<vmem>>[vector<16xi32>, vector<16xi32>], vector<16xf32>,
        %mul3A_277 = arith.mulf %gather3A_276, %gather3A_275 : vector<16xf32>
        %add3A_278 = arith.addf %add3A_262, %mul3A_277 : vector<16xf32>
        %gather3A_279 = tpu.vector_load_idx %arg17[%add3A_16, %and3A_271] : memref<32x16xf32, #tpu.memory_space<vmem>>[vector<16xi32>, vector<16xi32>], vector<16xf32>,
        %mul3A_280 = arith.mulf %gather3A_279, %gather3A_275 : vector<16xf32>
        %add3A_281 = arith.addf %add3A_265, %mul3A_280 : vector<16xf32>
        %broadcast_in_dim3A_282 = arith.constant 10 : i32
        %broadcast_in_dim3A_283 = vector.broadcast %broadcast_in_dim3A_282 : i32 to vector<16xi32>
        %add3A_284 = arith.addi %broadcast_in_dim3A_283, %iota3A : vector<16xi32>
        %and3A_285 = arith.constant 15 : i32
        %and3A_286 = vector.broadcast %and3A_285 : i32 to vector<16xi32>
        %and3A_287 = arith.andi %add3A_284, %and3A_286 : vector<16xi32>
        %add3A_288 = arith.constant 128 : i32
        %add3A_289 = vector.broadcast %add3A_288 : i32 to vector<16xi32>
        %add3A_290 = arith.addi %and3A_287, %add3A_289 : vector<16xi32>
        %gather3A_291 = tpu.vector_load_idx %arg20[%add3A_290] : memref<144xf32, #tpu.memory_space<vmem>>[vector<16xi32>], vector<16xf32>,
        %gather3A_292 = tpu.vector_load_idx %arg17[%add3A_13, %and3A_287] : memref<32x16xf32, #tpu.memory_space<vmem>>[vector<16xi32>, vector<16xi32>], vector<16xf32>,
        %mul3A_293 = arith.mulf %gather3A_292, %gather3A_291 : vector<16xf32>
        %add3A_294 = arith.addf %add3A_278, %mul3A_293 : vector<16xf32>
        %gather3A_295 = tpu.vector_load_idx %arg17[%add3A_16, %and3A_287] : memref<32x16xf32, #tpu.memory_space<vmem>>[vector<16xi32>, vector<16xi32>], vector<16xf32>,
        %mul3A_296 = arith.mulf %gather3A_295, %gather3A_291 : vector<16xf32>
        %add3A_297 = arith.addf %add3A_281, %mul3A_296 : vector<16xf32>
        %broadcast_in_dim3A_298 = arith.constant 11 : i32
        %broadcast_in_dim3A_299 = vector.broadcast %broadcast_in_dim3A_298 : i32 to vector<16xi32>
        %add3A_300 = arith.addi %broadcast_in_dim3A_299, %iota3A : vector<16xi32>
        %and3A_301 = arith.constant 15 : i32
        %and3A_302 = vector.broadcast %and3A_301 : i32 to vector<16xi32>
        %and3A_303 = arith.andi %add3A_300, %and3A_302 : vector<16xi32>
        %add3A_304 = arith.constant 128 : i32
        %add3A_305 = vector.broadcast %add3A_304 : i32 to vector<16xi32>
        %add3A_306 = arith.addi %and3A_303, %add3A_305 : vector<16xi32>
        %gather3A_307 = tpu.vector_load_idx %arg20[%add3A_306] : memref<144xf32, #tpu.memory_space<vmem>>[vector<16xi32>], vector<16xf32>,
        %gather3A_308 = tpu.vector_load_idx %arg17[%add3A_13, %and3A_303] : memref<32x16xf32, #tpu.memory_space<vmem>>[vector<16xi32>, vector<16xi32>], vector<16xf32>,
        %mul3A_309 = arith.mulf %gather3A_308, %gather3A_307 : vector<16xf32>
        %add3A_310 = arith.addf %add3A_294, %mul3A_309 : vector<16xf32>
        %gather3A_311 = tpu.vector_load_idx %arg17[%add3A_16, %and3A_303] : memref<32x16xf32, #tpu.memory_space<vmem>>[vector<16xi32>, vector<16xi32>], vector<16xf32>,
        %mul3A_312 = arith.mulf %gather3A_311, %gather3A_307 : vector<16xf32>
        %add3A_313 = arith.addf %add3A_297, %mul3A_312 : vector<16xf32>
        %broadcast_in_dim3A_314 = arith.constant 12 : i32
        %broadcast_in_dim3A_315 = vector.broadcast %broadcast_in_dim3A_314 : i32 to vector<16xi32>
        %add3A_316 = arith.addi %broadcast_in_dim3A_315, %iota3A : vector<16xi32>
        %and3A_317 = arith.constant 15 : i32
        %and3A_318 = vector.broadcast %and3A_317 : i32 to vector<16xi32>
        %and3A_319 = arith.andi %add3A_316, %and3A_318 : vector<16xi32>
        %add3A_320 = arith.constant 128 : i32
        %add3A_321 = vector.broadcast %add3A_320 : i32 to vector<16xi32>
        %add3A_322 = arith.addi %and3A_319, %add3A_321 : vector<16xi32>
        %gather3A_323 = tpu.vector_load_idx %arg20[%add3A_322] : memref<144xf32, #tpu.memory_space<vmem>>[vector<16xi32>], vector<16xf32>,
        %gather3A_324 = tpu.vector_load_idx %arg17[%add3A_13, %and3A_319] : memref<32x16xf32, #tpu.memory_space<vmem>>[vector<16xi32>, vector<16xi32>], vector<16xf32>,
        %mul3A_325 = arith.mulf %gather3A_324, %gather3A_323 : vector<16xf32>
        %add3A_326 = arith.addf %add3A_310, %mul3A_325 : vector<16xf32>
        %gather3A_327 = tpu.vector_load_idx %arg17[%add3A_16, %and3A_319] : memref<32x16xf32, #tpu.memory_space<vmem>>[vector<16xi32>, vector<16xi32>], vector<16xf32>,
        %mul3A_328 = arith.mulf %gather3A_327, %gather3A_323 : vector<16xf32>
        %add3A_329 = arith.addf %add3A_313, %mul3A_328 : vector<16xf32>
        %broadcast_in_dim3A_330 = arith.constant 13 : i32
        %broadcast_in_dim3A_331 = vector.broadcast %broadcast_in_dim3A_330 : i32 to vector<16xi32>
        %add3A_332 = arith.addi %broadcast_in_dim3A_331, %iota3A : vector<16xi32>
        %and3A_333 = arith.constant 15 : i32
        %and3A_334 = vector.broadcast %and3A_333 : i32 to vector<16xi32>
        %and3A_335 = arith.andi %add3A_332, %and3A_334 : vector<16xi32>
        %add3A_336 = arith.constant 128 : i32
        %add3A_337 = vector.broadcast %add3A_336 : i32 to vector<16xi32>
        %add3A_338 = arith.addi %and3A_335, %add3A_337 : vector<16xi32>
        %gather3A_339 = tpu.vector_load_idx %arg20[%add3A_338] : memref<144xf32, #tpu.memory_space<vmem>>[vector<16xi32>], vector<16xf32>,
        %gather3A_340 = tpu.vector_load_idx %arg17[%add3A_13, %and3A_335] : memref<32x16xf32, #tpu.memory_space<vmem>>[vector<16xi32>, vector<16xi32>], vector<16xf32>,
        %mul3A_341 = arith.mulf %gather3A_340, %gather3A_339 : vector<16xf32>
        %add3A_342 = arith.addf %add3A_326, %mul3A_341 : vector<16xf32>
        %gather3A_343 = tpu.vector_load_idx %arg17[%add3A_16, %and3A_335] : memref<32x16xf32, #tpu.memory_space<vmem>>[vector<16xi32>, vector<16xi32>], vector<16xf32>,
        %mul3A_344 = arith.mulf %gather3A_343, %gather3A_339 : vector<16xf32>
        %add3A_345 = arith.addf %add3A_329, %mul3A_344 : vector<16xf32>
        %broadcast_in_dim3A_346 = arith.constant 14 : i32
        %broadcast_in_dim3A_347 = vector.broadcast %broadcast_in_dim3A_346 : i32 to vector<16xi32>
        %add3A_348 = arith.addi %broadcast_in_dim3A_347, %iota3A : vector<16xi32>
        %and3A_349 = arith.constant 15 : i32
        %and3A_350 = vector.broadcast %and3A_349 : i32 to vector<16xi32>
        %and3A_351 = arith.andi %add3A_348, %and3A_350 : vector<16xi32>
        %add3A_352 = arith.constant 128 : i32
        %add3A_353 = vector.broadcast %add3A_352 : i32 to vector<16xi32>
        %add3A_354 = arith.addi %and3A_351, %add3A_353 : vector<16xi32>
        %gather3A_355 = tpu.vector_load_idx %arg20[%add3A_354] : memref<144xf32, #tpu.memory_space<vmem>>[vector<16xi32>], vector<16xf32>,
        %gather3A_356 = tpu.vector_load_idx %arg17[%add3A_13, %and3A_351] : memref<32x16xf32, #tpu.memory_space<vmem>>[vector<16xi32>, vector<16xi32>], vector<16xf32>,
        %mul3A_357 = arith.mulf %gather3A_356, %gather3A_355 : vector<16xf32>
        %add3A_358 = arith.addf %add3A_342, %mul3A_357 : vector<16xf32>
        %gather3A_359 = tpu.vector_load_idx %arg17[%add3A_16, %and3A_351] : memref<32x16xf32, #tpu.memory_space<vmem>>[vector<16xi32>, vector<16xi32>], vector<16xf32>,
        %mul3A_360 = arith.mulf %gather3A_359, %gather3A_355 : vector<16xf32>
        %add3A_361 = arith.addf %add3A_345, %mul3A_360 : vector<16xf32>
        %broadcast_in_dim3A_362 = arith.constant 15 : i32
        %broadcast_in_dim3A_363 = vector.broadcast %broadcast_in_dim3A_362 : i32 to vector<16xi32>
        %add3A_364 = arith.addi %broadcast_in_dim3A_363, %iota3A : vector<16xi32>
        %and3A_365 = arith.constant 15 : i32
        %and3A_366 = vector.broadcast %and3A_365 : i32 to vector<16xi32>
        %and3A_367 = arith.andi %add3A_364, %and3A_366 : vector<16xi32>
        %add3A_368 = arith.constant 128 : i32
        %add3A_369 = vector.broadcast %add3A_368 : i32 to vector<16xi32>
        %add3A_370 = arith.addi %and3A_367, %add3A_369 : vector<16xi32>
        %gather3A_371 = tpu.vector_load_idx %arg20[%add3A_370] : memref<144xf32, #tpu.memory_space<vmem>>[vector<16xi32>], vector<16xf32>,
        %gather3A_372 = tpu.vector_load_idx %arg17[%add3A_13, %and3A_367] : memref<32x16xf32, #tpu.memory_space<vmem>>[vector<16xi32>, vector<16xi32>], vector<16xf32>,
        %mul3A_373 = arith.mulf %gather3A_372, %gather3A_371 : vector<16xf32>
        %add3A_374 = arith.addf %add3A_358, %mul3A_373 : vector<16xf32>
        %gather3A_375 = tpu.vector_load_idx %arg17[%add3A_16, %and3A_367] : memref<32x16xf32, #tpu.memory_space<vmem>>[vector<16xi32>, vector<16xi32>], vector<16xf32>,
        %mul3A_376 = arith.mulf %gather3A_375, %gather3A_371 : vector<16xf32>
        %add3A_377 = arith.addf %add3A_361, %mul3A_376 : vector<16xf32>
        %neg3A = arith.constant 0.000000e+00 : f32
        %neg3A_378 = vector.broadcast %neg3A : f32 to vector<16xf32>
        %neg3A_379 = arith.subf %neg3A_378, %add3A_374 : vector<16xf32>
        %exp3A = math.exp %neg3A_379 : vector<16xf32>
        %add3A_380 = arith.constant 1.000000e+00 : f32
        %add3A_381 = vector.broadcast %add3A_380 : f32 to vector<16xf32>
        %add3A_382 = arith.addf %add3A_381, %exp3A : vector<16xf32>
        %div3A = arith.constant 1.000000e+00 : f32
        %div3A_383 = vector.broadcast %div3A : f32 to vector<16xf32>
        %div3A_384 = arith.divf %div3A_383, %add3A_382 : vector<16xf32>
        %swap3A = arith.constant 0 : index
        %swap3A_385 = tpu.vector_load %arg19[%swap3A] {strides = array<i32>} : memref<32xf32, #tpu.memory_space<vmem>>, vector<16xf32>,
        tpu.vector_store %arg19[%swap3A], %div3A_384 {strides = array<i32>} : memref<32xf32, #tpu.memory_space<vmem>>, vector<16xf32>,
        %neg3A_386 = arith.constant 0.000000e+00 : f32
        %neg3A_387 = vector.broadcast %neg3A_386 : f32 to vector<16xf32>
        %neg3A_388 = arith.subf %neg3A_387, %add3A_377 : vector<16xf32>
        %exp3A_389 = math.exp %neg3A_388 : vector<16xf32>
        %add3A_390 = arith.constant 1.000000e+00 : f32
        %add3A_391 = vector.broadcast %add3A_390 : f32 to vector<16xf32>
        %add3A_392 = arith.addf %add3A_391, %exp3A_389 : vector<16xf32>
        %div3A_393 = arith.constant 1.000000e+00 : f32
        %div3A_394 = vector.broadcast %div3A_393 : f32 to vector<16xf32>
        %div3A_395 = arith.divf %div3A_394, %add3A_392 : vector<16xf32>
        %swap3A_396 = arith.constant 16 : index
        %swap3A_397 = tpu.vector_load %arg19[%swap3A_396] {strides = array<i32>} : memref<32xf32, #tpu.memory_space<vmem>>, vector<16xf32>,
        tpu.vector_store %arg19[%swap3A_396], %div3A_395 {strides = array<i32>} : memref<32xf32, #tpu.memory_space<vmem>>, vector<16xf32>,
        %mul3A_398 = arith.constant 32 : i32
        %mul3A_399 = arith.muli %add3A_85, %mul3A_398 : i32
        %add3A_400 = arith.addi %add3A, %mul3A_399 : i32
        %mul3A_401 = arith.constant 32 : i32
        %mul3A_402 = arith.muli %add3A_400, %mul3A_401 : i32
        %dma_start3A_403 = tpu.memref_slice %arg7[%mul3A_402] : memref<320000xf32, #tpu.memory_space<hbm>> -> memref<32xf32, #tpu.memory_space<hbm>>
        %dma_start3A_404 = tpu.memref_slice %arg7[%mul3A_402] : memref<320000xf32, #tpu.memory_space<hbm>> -> memref<32xf32, #tpu.memory_space<hbm>>
        tpu.enqueue_dma source(%arg19 : memref<32xf32, #tpu.memory_space<vmem>>) target(%dma_start3A_404 : memref<32xf32, #tpu.memory_space<hbm>>) target_semaphore(%arg33 : memref<!tpu.dma_semaphore, #tpu.memory_space<semaphore_mem>>)
      } else {
      }
    }
    %scan3A_64 = arith.constant 157 : i32
    %dma_wait3A_65 = arith.constant 0 : i32
    %dma_wait3A_66 = tpu.memref_slice %arg7[%dma_wait3A_65] : memref<320000xf32, #tpu.memory_space<hbm>> -> memref<32xf32, #tpu.memory_space<hbm>>
    %dma_wait3A_67 = arith.constant 0 : i32
    %dma_wait3A_68 = tpu.memref_slice %arg7[%dma_wait3A_67] : memref<320000xf32, #tpu.memory_space<hbm>> -> memref<32xf32, #tpu.memory_space<hbm>>
    tpu.wait_dma2 semaphore(%arg32 : memref<!tpu.dma_semaphore, #tpu.memory_space<semaphore_mem>>) src(%arg18 : memref<32xf32, #tpu.memory_space<vmem>>) dst(%dma_wait3A_68 : memref<32xf32, #tpu.memory_space<hbm>>)
    %dma_wait3A_69 = arith.constant 0 : i32
    %dma_wait3A_70 = tpu.memref_slice %arg7[%dma_wait3A_69] : memref<320000xf32, #tpu.memory_space<hbm>> -> memref<32xf32, #tpu.memory_space<hbm>>
    %dma_wait3A_71 = arith.constant 0 : i32
    %dma_wait3A_72 = tpu.memref_slice %arg7[%dma_wait3A_71] : memref<320000xf32, #tpu.memory_space<hbm>> -> memref<32xf32, #tpu.memory_space<hbm>>
    tpu.wait_dma2 semaphore(%arg33 : memref<!tpu.dma_semaphore, #tpu.memory_space<semaphore_mem>>) src(%arg19 : memref<32xf32, #tpu.memory_space<vmem>>) dst(%dma_wait3A_72 : memref<32xf32, #tpu.memory_space<hbm>>)
    return
  }
}

</mosaic_0001>

<sc_bundles>
// kernel: _run.3.cloned.1.call-start
scs
__scs_entry_jumppad:
0x0: {  	(pc) =	sbr.rel $0x88, $3  }
0x1: {  	(tag) =	ssettag $0x0;
	lr =	simm.s32 $0x1  }
0x2: {  	[smem:$0x3F9C] =	sst lr;
	_ =	strace $0xD0000000  }
0x3: {  	_ = 	snop  }
0x4: {  	_ = 	snop  }
0x5: {  	_ = 	snop  }
0x6: {  	_ = 	snop  }
0x7: {  	_ = 	snop  }
__scs_overlays_trampoline_lowered:
0x8: {  	[smem:$0x3FAB] =	sst s0  }
0x9: {  	[smem:$0x3FAC] =	sst s1  }
0xa: {  	[smem:$0x3FAD] =	sst s2  }
0xb: {  	[smem:$0x3FAE] =	sst s3  }
0xc: {  	[smem:$0x3FAF] =	sst s4  }
0xd: {  	[smem:$0x3FB0] =	sst s5  }
0xe: {  	[smem:$0x3FB1] =	sst s6  }
0xf: {  	[smem:$0x3FB2] =	sst s7  }
0x10: {  	[smem:$0x3FB3] =	sst s8  }
0x11: {  	[smem:$0x3FB4] =	sst s9;
	s0 =	simm.s32 @!p0 $0x0  }
0x12: {  	s1 =	sld [smem:$0x3F9A];
	s0 =	simm.s32 @p0 $0x1  }
0x13: {  	[smem:$0x3FB5] =	sst s0;
	s0 =	simm.s32 @!p1 $0x0  }
0x14: {  	s2 =	sld [smem:$0x3F99];
	s0 =	simm.s32 @p1 $0x1  }
0x15: {  	[smem:$0x3FB6] =	sst s0;
	s0 =	simm.s32 @!p2 $0x0  }
0x16: {  	s3 =	sld [smem:$0x3FDB];
	s0 =	simm.s32 @p2 $0x1  }
0x17: {  	s4 =	simm.s32 $0x1BF5;
	[smem:$0x3FB8] =	sst s0  }
0x18: {  	s0 =	sld [smem:$0x3F9B];
	_ =	swait.ge [sflag:s4], $0x0  }
0x19: {  	s7 =	sld [smem:$0x3F9C]  }
0x1a: {  	s8 =	sadd.s32 $0xFFFFE003, lr  }
0x1b: {  	s9 =	sadd.s32 $0xFFFFFEF7, lr;
	s5 =	simm.s32 $0xFFFFFFFF;
	p2 =	slt.u32 s8, $0xFFFFF086  }
0x1c: {  	p1 =	slt.u32 s9, $0xF7A;
	s5 =	simm.s32 @!p2 $0x0  }
0x1d: {  	s5 =	simm.s32 @p1 $0x1;
	p0 =	seq.s32 s7, s2  }
0x1e: {  	s7 =	smul.u32 @!p0 $0xF7A, s2;
	p2 =	seq.s32 @!p0 s5, $0x0  }
0x1f: {  	s9 =	smul.u32 $0xF7A, s1;
	s8 =	simm.s32 @!p0 $0x1BF5;
	p2 =	por !p2, p0  }
0x20: {  	[sflag:s8] =	ssyncset.s32 @!p0 $0xFFFFF086;
	s6 =	sadd.s32 @!p0 s3, s7;
	s7 =	simm.s32 @!p0 $0x108  }
0x21: {  	s3 =	sadd.s32 s3, s9;
	s6 =	sadd.s32 @!p0 $0x88, s6;
	s7 =	simm.s32 @p2 $0x1082  }
0x22: {  	[simem:s7], [sflag:s8] =	dma.local @!p0 [hbm:s6], $0xF7A  }
0x23: {  	s9 =	sor.u32 $0xD0000000, s2;
	s6 =	simm.s32 $0x108;
	_ =	swait.ge @!p0 [sflag:s8], $0x0  }
0x24: {  	s3 =	sadd.s32 $0x88, s3;
	s6 =	simm.s32 @!p1 $0x1082;
	[sflag:s4] =	ssyncset.s32 $0xFFFFF086  }
0x25: {  	[simem:s6], [sflag:s4] =	dma.local [hbm:s3], $0xF7A  }
0x26: {  	[smem:$0x3F9C] =	sst s1;
	(tag) =	ssettag s2;
	_ =	strace s9  }
0x27: {  	s1 =	sld [smem:$0x3FAC]  }
0x28: {  	s2 =	sld [smem:$0x3FAD]  }
0x29: {  	s4 =	sld [smem:$0x3FAF]  }
0x2a: {  	p0 =	seq.s32 s5, $0x0;
	s5 =	sld [smem:$0x3FB0]  }
0x2b: {  	s6 =	sld [smem:$0x3FB1]  }
0x2c: {  	s7 =	sld [smem:$0x3FB2]  }
0x2d: {  	s3 =	simm.s32 $0x108;
	s8 =	sld [smem:$0x3FB3]  }
0x2e: {  	s3 =	simm.s32 @!p0 $0x1082;
	s9 =	sld [smem:$0x3FB4]  }
0x2f: {  	lr =	sadd.s32 s0, s3;
	s0 =	sld [smem:$0x3FAB]  }
0x30: {  	s3 =	sld [smem:$0x3FAE]  }
0x31: {  	[smem:$0x3FB7] =	sst s10  }
0x32: {  	s10 =	sld [smem:$0x3FB5];
	_ =	sdelay $0x3  }
0x33: {  	p0 =	seq.s32 s10, $0x1;
	s10 =	sld [smem:$0x3FB7];
	_ =	sdelay $0x3  }
0x34: {  	[smem:$0x3FB7] =	sst s10  }
0x35: {  	s10 =	sld [smem:$0x3FB6];
	_ =	sdelay $0x3  }
0x36: {  	p1 =	seq.s32 s10, $0x1;
	s10 =	sld [smem:$0x3FB7];
	_ =	sdelay $0x3  }
0x37: {  	[smem:$0x3FB7] =	sst s10  }
0x38: {  	s10 =	sld [smem:$0x3FB8]  }
0x39: {  	_ = 	snop;
	(pc) =	sbr.ind lr, $3  }
0x3a: {  	_ = 	snop  }
0x3b: {  	_ = 	snop  }
0x3c: {  	p2 =	seq.s32 s10, $0x1;
	s10 =	sld [smem:$0x3FB7]  }
0x3d: {  	_ =	shalt  }
0x3e: {  	_ =	shalt  }
0x3f: {  	_ =	shalt  }
0x40: {  	_ =	shalt  }
0x41: {  	_ =	shalt  }
0x42: {  	_ =	shalt  }
0x43: {  	_ =	shalt  }
0x44: {  	_ =	shalt  }
0x45: {  	_ =	shalt  }
0x46: {  	_ =	shalt  }
0x47: {  	_ =	shalt  }
0x48: {  	_ =	shalt  }
0x49: {  	_ =	shalt  }
0x4a: {  	_ =	shalt  }
0x4b: {  	_ =	shalt  }
0x4c: {  	_ =	shalt  }
0x4d: {  	_ =	shalt  }
0x4e: {  	_ =	shalt  }
0x4f: {  	_ =	shalt  }
0x50: {  	_ =	shalt  }
0x51: {  	_ =	shalt  }
0x52: {  	_ =	shalt  }
0x53: {  	_ =	shalt  }
0x54: {  	_ =	shalt  }
0x55: {  	_ =	shalt  }
0x56: {  	_ =	shalt  }
0x57: {  	_ =	shalt  }
0x58: {  	_ =	shalt  }
0x59: {  	_ =	shalt  }
0x5a: {  	_ =	shalt  }
0x5b: {  	_ =	shalt  }
0x5c: {  	_ =	shalt  }
0x5d: {  	_ =	shalt  }
0x5e: {  	_ =	shalt  }
0x5f: {  	_ =	shalt  }
0x60: {  	_ =	shalt  }
0x61: {  	_ =	shalt  }
0x62: {  	_ =	shalt  }
0x63: {  	_ =	shalt  }
0x64: {  	_ =	shalt  }
0x65: {  	_ =	shalt  }
0x66: {  	_ =	shalt  }
0x67: {  	_ =	shalt  }
0x68: {  	_ =	shalt  }
0x69: {  	_ =	shalt  }
0x6a: {  	_ =	shalt  }
0x6b: {  	_ =	shalt  }
0x6c: {  	_ =	shalt  }
0x6d: {  	_ =	shalt  }
0x6e: {  	_ =	shalt  }
0x6f: {  	_ =	shalt  }
0x70: {  	_ =	shalt  }
0x71: {  	_ =	shalt  }
0x72: {  	_ =	shalt  }
0x73: {  	_ =	shalt  }
0x74: {  	_ =	shalt  }
0x75: {  	_ =	shalt  }
0x76: {  	_ =	shalt  }
0x77: {  	_ =	shalt  }
0x78: {  	_ =	shalt  }
0x79: {  	_ =	shalt  }
0x7a: {  	_ =	shalt  }
0x7b: {  	_ =	shalt  }
0x7c: {  	_ =	shalt  }
0x7d: {  	_ =	shalt  }
0x7e: {  	_ =	shalt  }
0x7f: {  	_ =	shalt  }
0x80: {  	_ =	shalt  }
0x81: {  	_ =	shalt  }
0x82: {  	_ =	shalt  }
0x83: {  	_ =	shalt  }
0x84: {  	_ =	shalt  }
0x85: {  	_ =	shalt  }
0x86: {  	_ =	shalt  }
0x87: {  	_ =	shalt  }
.Lfunc_end0:
.L_simem_size_0:
called_computation_lowered:
.L_overlay_start_0:
0x88: {  	s2 =	sld [smem:$0x3FD9]  }
0x89: {  	s3 =	sld [smem:$0x3FFE];
	_ =	sdelay $0x1  }
0x8a: {  	s1 =	srdreg.scid  }
0x8b: {  	s0 =	sand.u32 $0x1, s1  }
0x8c: {  	s17 =	sshll.u32 s0, $0xA;
	s2 =	sadd.s32 s3, s2  }
0x8d: {  	s2 =	sadd.s32 s2, s17  }
0x8e: {  	[smem:$0x3FC3] =	sst s2  }
0x8f: {  	_ = 	snop  }
0x90: {  	s2 =	sld [smem:$0x3FC9]  }
0x91: {  	s18 =	sld [smem:$0x3FC8]  }
0x92: {  	s4 =	sld [smem:$0x3FC7]  }
0x93: {  	s5 =	sld [smem:$0x3FC5]  }
0x94: {  	s6 =	sld [smem:$0x3FD0];
	(tm) =	ssettm $0x1  }
0x95: {  	s7 =	sld [smem:$0x3FFB];
	_ =	sdelay $0x3  }
0x96: {  	_ =	strace s7  }
0x97: {  	s7 =	sld [smem:$0x3FFC];
	_ =	sdelay $0x3  }
0x98: {  	_ =	strace s7  }
0x99: {  	s7 =	sld [smem:$0x3FFD];
	_ =	sdelay $0x3  }
0x9a: {  	_ =	strace s7  }
0x9b: {  	_ =	strace $0x8FFFFFFF  }
0x9c: {  	s19 =	sld [smem:$0x3FDB];
	_ =	sdelay $0x1  }
0x9d: {  	s8 =	simm.s32 $_scs_section_size  }
0x9e: {  	s9 =	simm.s32 $_size__tile_overlayer_lowered;
	s10 =	simm.s32 $_tile_overlayer_lowered  }
0x9f: {  	s22 =	simm.s32 $0x1BFF;
	s21 =	sshll.u32 s10, $0x1;
	s7 =	sadd.s32 s8, s19  }
0xa0: {  	s11 =	simm.s32 $0x0;
	s20 =	sshll.u32 s9, $0x1;
	s9 =	sadd.s32 s21, s7  }
0xa1: {  	[timem:s11], [sflag:s22] =	dma.local [hbm:s9], s20  }
0xa2: {  	_ =	swait.ge [sflag:s22], s20  }
0xa3: {  	s8 =	ssub.s32 $0x0, s20;
	[sflag:s22] =	ssyncset.done $0x0  }
0xa4: {  	[sflag:s22] =	ssyncadd.s32 s8;
	_ =	sdelay $0x1  }
0xa5: {  	s23 =	simm.s32 $0x1B8B  }
0xa6: {  	_ =	swait.ge [sflag:s23], $0x1  }
0xa7: {  	[sflag:s23] =	ssyncset.done $0x0  }
0xa8: {  	s25 =	simm.s32 $0x1B8E;
	s24 =	sld [smem:$0x3FFE];
	[sflag:s23] =	ssyncadd.s32 $0xFFFFFFFF  }
0xa9: {  	s26 =	simm.s32 $execute0_lowered;
	[smem:$0x3FD2] =	sst s25  }
0xaa: {  	s9 =	sshll.u32 s26, $0x1;
	_ =	strace $0x80000046;
	[dreg:$0x1] =	wrdreg $0xFFFFFFFF  }
0xab: {  	s28 =	simm.s32 $_size_execute0_lowered;
	s7 =	sadd.s32 s7, s9;
	[dreg:$0x0] =	wrdreg $0x0  }
0xac: {  	s9 =	sshll.u32 s28, $0x1;
	[dreg:$0x2] =	wrdreg s7  }
0xad: {  	[dreg:$0x3] =	wrdreg s9  }
0xae: {  	[dreg:$0x4] =	wrdreg $0xC0  }
0xaf: {  	_ =	task [dreg:s11], $0x5FFFF  }
0xb0: {  	[dreg:$0x1] =	wrdreg $0xFFFFFFFF  }
0xb1: {  	[dreg:$0x0] =	wrdreg $0x60  }
0xb2: {  	[dreg:$0x2] =	wrdreg s2  }
0xb3: {  	[dreg:$0x3] =	wrdreg s18  }
0xb4: {  	[dreg:$0x4] =	wrdreg s4  }
0xb5: {  	[dreg:$0x5] =	wrdreg s24  }
0xb6: {  	[dreg:$0x6] =	wrdreg s5  }
0xb7: {  	[dreg:$0x7] =	wrdreg s6  }
0xb8: {  	[dreg:$0x8] =	wrdreg $0x64000  }
0xb9: {  	[dreg:$0x9] =	wrdreg $0x9  }
0xba: {  	_ =	task.clear_ibuf [dreg:s11], $0xAFFFF;
	_ =	strace $0x90000046  }
0xbb: {  	s29 =	simm.s32 $0x9;
	_ =	strace $0x80000048  }
0xbc: {  	_ =	swait.ge [sflag:s29], $0x1  }
0xbd: {  	[sflag:s29] =	ssyncadd.s32 $0xFFFFFFFF  }
0xbe: {  	_ =	strace $0x90000048  }
0xbf: {  	_ =	sfence  }
0xc0: {  	s30 =	sld [smem:$0x0];
	_ =	sdelay $0x2  }
0xc1: {  	s31 =	sshll.u32 s1, $0xD;
	s1 =	sshrl.u32 s1, $0x2  }
0xc2: {  	s3 =	sand.u32 $0x4000, s31;
	s1 =	sadd.s32 s1, s30  }
0xc3: {  	s0 =	sor.u32 s3, s0;
	s1 =	sshll.u32 s1, $0x11  }
0xc4: {  	s0 =	sor.u32 s1, s0  }
0xc5: {  	s0 =	sadd.s32 $0x8F2B, s0  }
0xc6: {  	[sflag:s0] =	ssyncadd.remote.s32 $0x1  }
0xc7: {  	_ =	sfence.sel $0xFFFF  }
0xc8: {  	[dreg:$0x0] =	wrdreg $0xFFFFFFFF;
	(pc) =	sbr.abs _section_cstart, $3  }
0xc9: {  	[dreg:$0x1] =	wrdreg $0xFFFFFFFF  }
0xca: {  	_ =	task.clear_ibuf [dreg:s11], $0x2FFFF;
	_ =	strace $0x9FFFFFFF  }
0xcb: {  	(tm) =	ssettm $0x7FFFFFFF  }
tec
execute0_lowered:
.L_overlay_start_1:
0x0: {  	(tag) =	ssettag $0x1  }
0x1: {  	v3 =	vimm.s32 $0x8C8B8A89  }
0x2: {  	v4 =	vimm.s32 $0x88878685;
	v5 =	vunpack.c.0.s8.s32 v3;
	v3 =	vimm.s32 $0x808F8E8D  }
0x3: {  	v4 =	vunpack.c.0.s8.s32 v4;
	v6 =	vunpack.c.0.s8.s32 v3;
	v3 =	vimm.s32 $0x84838281  }
0x4: {  	v3 =	vunpack.c.0.s8.s32 v3  }
0x5: {  	vm0 =	vcmask $0x1F10;
	vm15 =	vcmask $0x300;
	vm14 =	vcmask $0x704;
	[tilespmem:$0x1FDD0] =	vst v4  }
0x6: {  	vm13 =	vcmask $0xB08;
	[tilespmem:$0x1FDC0] =	vst v3;
	v4 =	vsel vm0, v4, v3;
	v3 =	vimm.s32 $0x780  }
0x7: {  	vm12 =	vcmask $0xF0C;
	[tilespmem:$0x1FDA0] =	vst v5;
	v5 =	vsel vm0, v6, v5;
	v3 =	vsel vm15, $0x1, v3  }
0x8: {  	vm11 =	vcmask $0x1310;
	[tilespmem:$0x1FDF0] =	vst v4;
	v4 =	vcombine.low v4, v5;
	v3 =	vsel vm14, $0x82, v3  }
0x9: {  	v17 =	vimm.s32 $0xF80;
	vm10 =	vcmask $0x1714;
	v3 =	vsel vm13, $0x103, v3  }
0xa: {  	vm9 =	vcmask $0x1B18;
	v4 =	vand.u32 $0xFF, v4;
	v3 =	vsel vm12, $0x184, v3  }
0xb: {  	vm8 =	vcmask $0x1F1C;
	[tilespmem:$0x1FE20] =	vst v4;
	v4 =	vsel vm15, $0x801, v17;
	v3 =	vsel vm11, $0x205, v3  }
0xc: {  	vm7 =	vcmask $0x2320;
	v4 =	vsel vm14, $0x882, v4;
	v3 =	vsel vm10, $0x286, v3  }
0xd: {  	vm6 =	vcmask $0x2724;
	v4 =	vsel vm13, $0x903, v4;
	v3 =	vsel vm9, $0x307, v3  }
0xe: {  	vm5 =	vcmask $0x2B28;
	v4 =	vsel vm12, $0x984, v4;
	v3 =	vsel vm8, $0x388, v3  }
0xf: {  	vm4 =	vcmask $0x2F2C;
	v4 =	vsel vm11, $0xA05, v4;
	v3 =	vsel vm7, $0x409, v3  }
0x10: {  	vm3 =	vcmask $0x3330;
	v4 =	vsel vm10, $0xA86, v4;
	v3 =	vsel vm6, $0x48A, v3  }
0x11: {  	vm2 =	vcmask $0x3734;
	v4 =	vsel vm9, $0xB07, v4;
	v3 =	vsel vm5, $0x50B, v3  }
0x12: {  	v18 =	vimm.s32 $0x781;
	v4 =	vsel vm8, $0xB88, v4;
	v3 =	vsel vm4, $0x58C, v3  }
0x13: {  	vm1 =	vcmask $0x3B38;
	v4 =	vsel vm7, $0xC09, v4;
	v3 =	vsel vm3, $0x60D, v3  }
0x14: {  	[tilespmem:$0x1FDE0] =	vst v5;
	v5 =	vsel vm15, $0x2, v18;
	v4 =	vsel vm6, $0xC8A, v4;
	v3 =	vsel vm2, $0x68E, v3  }
0x15: {  	v19 =	vsel vm14, $0x83, v5;
	v4 =	vsel vm5, $0xD0B, v4;
	v3 =	vsel vm1, $0x70F, v3  }
0x16: {  	[tilespmem:$0x1FE30] =	vst v3;
	v3 =	vsel vm4, $0xD8C, v4;
	v4 =	vsel vm13, $0x104, v19  }
0x17: {  	v4 =	vsel vm12, $0x185, v4  }
0x18: {  	v4 =	vsel vm11, $0x206, v4  }
0x19: {  	v23 =	vimm.s32 $0xF81;
	v4 =	vsel vm10, $0x287, v4  }
0x1a: {  	v32 =	vsel vm15, $0x802, v23;
	v4 =	vsel vm9, $0x308, v4  }
0x1b: {  	v5 =	vsel vm14, $0x883, v32;
	v4 =	vsel vm8, $0x389, v4  }
0x1c: {  	v0 =	vlaneseq.u32;
	v5 =	vsel vm13, $0x904, v5;
	v4 =	vsel vm7, $0x40A, v4  }
0x1d: {  	v37 =	vimm.s32 $0x782;
	v5 =	vsel vm12, $0x985, v5;
	v4 =	vsel vm6, $0x48B, v4  }
0x1e: {  	v5 =	vsel vm11, $0xA06, v5;
	v3 =	vsel vm3, $0xE0D, v3;
	v4 =	vsel vm5, $0x50C, v4  }
0x1f: {  	v5 =	vsel vm10, $0xA87, v5;
	v3 =	vsel vm2, $0xE8E, v3;
	v4 =	vsel vm4, $0x58D, v4  }
0x20: {  	v5 =	vsel vm9, $0xB08, v5;
	v3 =	vsel vm1, $0xF0F, v3;
	v4 =	vsel vm3, $0x60E, v4  }
0x21: {  	v38 =	vimm.s32 $0xF82;
	v5 =	vsel vm8, $0xB89, v5;
	[tilespmem:$0x1FEA0] =	vst v3;
	v3 =	vsel vm2, $0x68F, v4  }
0x22: {  	v35 =	vsel vm7, $0xC0A, v5;
	v4 =	vsel vm15, $0x3, v37;
	v3 =	vsel vm1, $0x700, v3  }
0x23: {  	v5 =	vsel vm15, $0x803, v38;
	v4 =	vsel vm14, $0x84, v4;
	[tilespmem:$0x1FEC0] =	vst v3;
	v3 =	vsel vm6, $0xC8B, v35  }
0x24: {  	v5 =	vsel vm14, $0x884, v5;
	v4 =	vsel vm13, $0x105, v4;
	v3 =	vsel vm5, $0xD0C, v3  }
0x25: {  	v5 =	vsel vm13, $0x905, v5;
	v4 =	vsel vm12, $0x186, v4;
	v3 =	vsel vm4, $0xD8D, v3  }
0x26: {  	v5 =	vsel vm12, $0x986, v5;
	v4 =	vsel vm11, $0x207, v4;
	v3 =	vsel vm3, $0xE0E, v3  }
0x27: {  	v5 =	vsel vm11, $0xA07, v5;
	v4 =	vsel vm10, $0x288, v4;
	v3 =	vsel vm2, $0xE8F, v3  }
0x28: {  	v5 =	vsel vm10, $0xA88, v5;
	v4 =	vsel vm9, $0x309, v4;
	v3 =	vsel vm1, $0xF00, v3  }
0x29: {  	v20 =	vimm.s32 $0x8D8C8B8A;
	v5 =	vsel vm9, $0xB09, v5;
	[tilespmem:$0x1FED0] =	vst v3;
	v3 =	vsel vm8, $0x38A, v4  }
0x2a: {  	v22 =	vimm.s32 $0x81808F8E;
	v42 =	vsel vm8, $0xB8A, v5;
	v3 =	vsel vm7, $0x40B, v3  }
0x2b: {  	v33 =	vimm.s32 $0x85848382;
	v4 =	vsel vm7, $0xC0B, v42;
	v3 =	vsel vm6, $0x48C, v3  }
0x2c: {  	v34 =	vimm.s32 $0x89888786;
	v4 =	vsel vm6, $0xC8C, v4;
	v3 =	vsel vm5, $0x50D, v3  }
0x2d: {  	v39 =	vimm.s32 $0x8E8D8C8B;
	v4 =	vsel vm5, $0xD0D, v4;
	v3 =	vsel vm4, $0x58E, v3  }
0x2e: {  	v41 =	vimm.s32 $0x8281808F;
	v4 =	vsel vm4, $0xD8E, v4;
	v3 =	vsel vm3, $0x60F, v3  }
0x2f: {  	v43 =	vimm.s32 $0x86858483;
	v4 =	vsel vm3, $0xE0F, v4;
	v3 =	vsel vm2, $0x680, v3  }
0x30: {  	v44 =	vimm.s32 $0x8A898887;
	v4 =	vsel vm2, $0xE80, v4;
	v3 =	vsel vm1, $0x701, v3  }
0x31: {  	v45 =	vimm.s32 $0x8F8E8D8C;
	v46 =	vimm.s32 $0x87868584;
	[tilespmem:$0x1FF00] =	vst v3;
	v3 =	vsel vm1, $0xF01, v4  }
0x32: {  	v47 =	vimm.s32 $0x8B8A8988;
	v48 =	vimm.s32 $0xF83;
	[tilespmem:$0x1FF10] =	vst v3;
	v3 =	vimm.s32 $0x83828180  }
0x33: {  	v49 =	vimm.s32 $0x784;
	v32 =	vunpack.c.0.s8.s32 v3;
	v3 =	vimm.s32 $0x783  }
0x34: {  	v50 =	vimm.s32 $0x785;
	v51 =	vimm.s32 $0xF85;
	v3 =	vsel vm15, $0x4, v3  }
0x35: {  	v52 =	vimm.s32 $0xF86;
	v4 =	vsel vm15, $0x804, v48;
	v3 =	vsel vm14, $0x85, v3  }
0x36: {  	v5 =	vsel vm15, $0x5, v49;
	v4 =	vsel vm14, $0x885, v4;
	v3 =	vsel vm13, $0x106, v3  }
0x37: {  	v5 =	vsel vm14, $0x86, v5;
	v4 =	vsel vm13, $0x906, v4;
	v3 =	vsel vm12, $0x187, v3  }
0x38: {  	v5 =	vsel vm13, $0x107, v5;
	v4 =	vsel vm12, $0x987, v4;
	v3 =	vsel vm11, $0x208, v3  }
0x39: {  	v5 =	vsel vm12, $0x188, v5;
	v4 =	vsel vm11, $0xA08, v4;
	v3 =	vsel vm10, $0x289, v3  }
0x3a: {  	v5 =	vsel vm11, $0x209, v5;
	v4 =	vsel vm10, $0xA89, v4;
	v3 =	vsel vm9, $0x30A, v3  }
0x3b: {  	v5 =	vsel vm10, $0x28A, v5;
	v4 =	vsel vm9, $0xB0A, v4;
	v3 =	vsel vm8, $0x38B, v3  }
0x3c: {  	v5 =	vsel vm9, $0x30B, v5;
	v4 =	vsel vm8, $0xB8B, v4;
	v3 =	vsel vm7, $0x40C, v3  }
0x3d: {  	v5 =	vsel vm8, $0x38C, v5;
	v4 =	vsel vm7, $0xC0C, v4;
	v3 =	vsel vm6, $0x48D, v3  }
0x3e: {  	v5 =	vsel vm7, $0x40D, v5;
	v4 =	vsel vm6, $0xC8D, v4;
	v3 =	vsel vm5, $0x50E, v3  }
0x3f: {  	v5 =	vsel vm6, $0x48E, v5;
	v4 =	vsel vm5, $0xD0E, v4;
	v3 =	vsel vm4, $0x58F, v3  }
0x40: {  	v5 =	vsel vm5, $0x50F, v5;
	v4 =	vsel vm4, $0xD8F, v4;
	v3 =	vsel vm3, $0x600, v3  }
0x41: {  	v5 =	vsel vm4, $0x580, v5;
	v4 =	vsel vm3, $0xE00, v4;
	v3 =	vsel vm2, $0x681, v3  }
0x42: {  	v5 =	vsel vm3, $0x601, v5;
	v4 =	vsel vm2, $0xE81, v4;
	v3 =	vsel vm1, $0x702, v3  }
0x43: {  	v53 =	vimm.s32 $0x787;
	v5 =	vsel vm2, $0x682, v5;
	[tilespmem:$0x1FF20] =	vst v3;
	v3 =	vsel vm1, $0xF02, v4  }
0x44: {  	v54 =	vimm.s32 $0x788;
	v55 =	vimm.s32 $0xF88;
	[tilespmem:$0x1FF30] =	vst v3;
	v3 =	vsel vm1, $0x703, v5  }
0x45: {  	v56 =	vimm.s32 $0xF89;
	v57 =	vimm.s32 $0x78A;
	[tilespmem:$0x1FF40] =	vst v3;
	v3 =	vimm.s32 $0xF84  }
0x46: {  	v58 =	vimm.s32 $0x78B;
	v59 =	vimm.s32 $0xF8B;
	v3 =	vsel vm15, $0x805, v3  }
0x47: {  	v60 =	vimm.s32 $0xF8C;
	v4 =	vsel vm15, $0x6, v50;
	v3 =	vsel vm14, $0x886, v3  }
0x48: {  	v5 =	vsel vm15, $0x806, v51;
	v4 =	vsel vm14, $0x87, v4;
	v3 =	vsel vm13, $0x907, v3  }
0x49: {  	v5 =	vsel vm14, $0x887, v5;
	v4 =	vsel vm13, $0x108, v4;
	v3 =	vsel vm12, $0x988, v3  }
0x4a: {  	v5 =	vsel vm13, $0x908, v5;
	v4 =	vsel vm12, $0x189, v4;
	v3 =	vsel vm11, $0xA09, v3  }
0x4b: {  	v5 =	vsel vm12, $0x989, v5;
	v4 =	vsel vm11, $0x20A, v4;
	v3 =	vsel vm10, $0xA8A, v3  }
0x4c: {  	v5 =	vsel vm11, $0xA0A, v5;
	v4 =	vsel vm10, $0x28B, v4;
	v3 =	vsel vm9, $0xB0B, v3  }
0x4d: {  	v5 =	vsel vm10, $0xA8B, v5;
	v4 =	vsel vm9, $0x30C, v4;
	v3 =	vsel vm8, $0xB8C, v3  }
0x4e: {  	v5 =	vsel vm9, $0xB0C, v5;
	v4 =	vsel vm8, $0x38D, v4;
	v3 =	vsel vm7, $0xC0D, v3  }
0x4f: {  	v5 =	vsel vm8, $0xB8D, v5;
	v4 =	vsel vm7, $0x40E, v4;
	v3 =	vsel vm6, $0xC8E, v3  }
0x50: {  	v5 =	vsel vm7, $0xC0E, v5;
	v4 =	vsel vm6, $0x48F, v4;
	v3 =	vsel vm5, $0xD0F, v3  }
0x51: {  	v5 =	vsel vm6, $0xC8F, v5;
	v4 =	vsel vm5, $0x500, v4;
	v3 =	vsel vm4, $0xD80, v3  }
0x52: {  	v5 =	vsel vm5, $0xD00, v5;
	v4 =	vsel vm4, $0x581, v4;
	v3 =	vsel vm3, $0xE01, v3  }
0x53: {  	v5 =	vsel vm4, $0xD81, v5;
	v4 =	vsel vm3, $0x602, v4;
	v3 =	vsel vm2, $0xE82, v3  }
0x54: {  	v5 =	vsel vm3, $0xE02, v5;
	v4 =	vsel vm2, $0x683, v4;
	v3 =	vsel vm1, $0xF03, v3  }
0x55: {  	v61 =	vimm.s32 $0x78D;
	v5 =	vsel vm2, $0xE83, v5;
	[tilespmem:$0x1FF50] =	vst v3;
	v3 =	vsel vm1, $0x704, v4  }
0x56: {  	v62 =	vimm.s32 $0x78E;
	v63 =	vimm.s32 $0xF8E;
	[tilespmem:$0x1FF60] =	vst v3;
	v3 =	vsel vm1, $0xF04, v5  }
0x57: {  	v1 =	vmul.u32 $0x80, v0;
	v7 =	vor.u32 $0x80, v0;
	[tilespmem:$0x1FF70] =	vst v3;
	v3 =	vimm.s32 $0x786  }
0x58: {  	v15 =	vmul.u32 $0x81, v0;
	v21 =	vunpack.c.0.s8.s32 v20;
	v3 =	vsel vm15, $0x7, v3  }
0x59: {  	v8 =	vunpack.c.0.s8.s32 v22;
	v4 =	vsel vm15, $0x807, v52;
	v3 =	vsel vm14, $0x88, v3  }
0x5a: {  	v5 =	vsel vm15, $0x8, v53;
	v4 =	vsel vm14, $0x888, v4;
	v3 =	vsel vm13, $0x109, v3  }
0x5b: {  	v5 =	vsel vm14, $0x89, v5;
	v4 =	vsel vm13, $0x909, v4;
	v3 =	vsel vm12, $0x18A, v3  }
0x5c: {  	v5 =	vsel vm13, $0x10A, v5;
	v4 =	vsel vm12, $0x98A, v4;
	v3 =	vsel vm11, $0x20B, v3  }
0x5d: {  	v5 =	vsel vm12, $0x18B, v5;
	v4 =	vsel vm11, $0xA0B, v4;
	v3 =	vsel vm10, $0x28C, v3  }
0x5e: {  	v5 =	vsel vm11, $0x20C, v5;
	v4 =	vsel vm10, $0xA8C, v4;
	v3 =	vsel vm9, $0x30D, v3  }
0x5f: {  	v5 =	vsel vm10, $0x28D, v5;
	v4 =	vsel vm9, $0xB0D, v4;
	v3 =	vsel vm8, $0x38E, v3  }
0x60: {  	v5 =	vsel vm9, $0x30E, v5;
	v4 =	vsel vm8, $0xB8E, v4;
	v3 =	vsel vm7, $0x40F, v3  }
0x61: {  	v5 =	vsel vm8, $0x38F, v5;
	v4 =	vsel vm7, $0xC0F, v4;
	v3 =	vsel vm6, $0x480, v3  }
0x62: {  	v5 =	vsel vm7, $0x400, v5;
	v4 =	vsel vm6, $0xC80, v4;
	v3 =	vsel vm5, $0x501, v3  }
0x63: {  	v5 =	vsel vm6, $0x481, v5;
	v4 =	vsel vm5, $0xD01, v4;
	v3 =	vsel vm4, $0x582, v3  }
0x64: {  	v5 =	vsel vm5, $0x502, v5;
	v4 =	vsel vm4, $0xD82, v4;
	v3 =	vsel vm3, $0x603, v3  }
0x65: {  	v5 =	vsel vm4, $0x583, v5;
	v4 =	vsel vm3, $0xE03, v4;
	v3 =	vsel vm2, $0x684, v3  }
0x66: {  	[tilespmem:$0x1FDB0] =	vst v6;
	v5 =	vsel vm3, $0x604, v5;
	v4 =	vsel vm2, $0xE84, v4;
	v3 =	vsel vm1, $0x705, v3  }
0x67: {  	v9 =	vunpack.c.0.s8.s32 v33;
	v5 =	vsel vm2, $0x685, v5;
	[tilespmem:$0x1FF80] =	vst v3;
	v3 =	vsel vm1, $0xF05, v4  }
0x68: {  	v40 =	vunpack.c.0.s8.s32 v39;
	v27 =	vunpack.c.0.s8.s32 v43;
	[tilespmem:$0x1FF90] =	vst v3;
	v3 =	vsel vm1, $0x706, v5  }
0x69: {  	v28 =	vunpack.c.0.s8.s32 v44;
	v6 =	vunpack.c.0.s8.s32 v34;
	[tilespmem:$0x1FFA0] =	vst v3;
	v3 =	vimm.s32 $0xF87  }
0x6a: {  	v31 =	vunpack.c.0.s8.s32 v45;
	v33 =	vunpack.c.0.s8.s32 v46;
	v3 =	vsel vm15, $0x808, v3  }
0x6b: {  	[tilespmem:$0x1FE70] =	vst v6;
	v6 =	vsel vm0, v6, v9;
	v4 =	vsel vm15, $0x9, v54;
	v3 =	vsel vm14, $0x889, v3  }
0x6c: {  	v5 =	vsel vm15, $0x809, v55;
	v4 =	vsel vm14, $0x8A, v4;
	v3 =	vsel vm13, $0x90A, v3  }
0x6d: {  	v5 =	vsel vm14, $0x88A, v5;
	v4 =	vsel vm13, $0x10B, v4;
	v3 =	vsel vm12, $0x98B, v3  }
0x6e: {  	v5 =	vsel vm13, $0x90B, v5;
	v4 =	vsel vm12, $0x18C, v4;
	v3 =	vsel vm11, $0xA0C, v3  }
0x6f: {  	v5 =	vsel vm12, $0x98C, v5;
	v4 =	vsel vm11, $0x20D, v4;
	v3 =	vsel vm10, $0xA8D, v3  }
0x70: {  	v5 =	vsel vm11, $0xA0D, v5;
	v4 =	vsel vm10, $0x28E, v4;
	v3 =	vsel vm9, $0xB0E, v3  }
0x71: {  	v5 =	vsel vm10, $0xA8E, v5;
	v4 =	vsel vm9, $0x30F, v4;
	v3 =	vsel vm8, $0xB8F, v3  }
0x72: {  	v5 =	vsel vm9, $0xB0F, v5;
	v4 =	vsel vm8, $0x380, v4;
	v3 =	vsel vm7, $0xC00, v3  }
0x73: {  	v5 =	vsel vm8, $0xB80, v5;
	v4 =	vsel vm7, $0x401, v4;
	v3 =	vsel vm6, $0xC81, v3  }
0x74: {  	v5 =	vsel vm7, $0xC01, v5;
	v4 =	vsel vm6, $0x482, v4;
	v3 =	vsel vm5, $0xD02, v3  }
0x75: {  	v5 =	vsel vm6, $0xC82, v5;
	v4 =	vsel vm5, $0x503, v4;
	v3 =	vsel vm4, $0xD83, v3  }
0x76: {  	v5 =	vsel vm5, $0xD03, v5;
	v4 =	vsel vm4, $0x584, v4;
	v3 =	vsel vm3, $0xE04, v3  }
0x77: {  	[tilespmem:$0x1FD90] =	vst v7;
	v5 =	vsel vm4, $0xD84, v5;
	v4 =	vsel vm3, $0x605, v4;
	v3 =	vsel vm2, $0xE85, v3  }
0x78: {  	[tilespmem:$0x1FE90] =	vst v6;
	v5 =	vsel vm3, $0xE05, v5;
	v4 =	vsel vm2, $0x686, v4;
	v3 =	vsel vm1, $0xF06, v3  }
0x79: {  	v7 =	vsel vm0, v8, v21;
	v5 =	vsel vm2, $0xE86, v5;
	[tilespmem:$0x1FFB0] =	vst v3;
	v3 =	vsel vm1, $0x707, v4  }
0x7a: {  	v2 =	vor.u32 $0x800, v1;
	v6 =	vcombine.low v6, v7;
	[tilespmem:$0x1FFC0] =	vst v3;
	v3 =	vsel vm1, $0xF07, v5  }
0x7b: {  	v16 =	vor.u32 $0x800, v15;
	v34 =	vunpack.c.0.s8.s32 v47;
	[tilespmem:$0x1FFD0] =	vst v3;
	v3 =	vimm.s32 $0x789  }
0x7c: {  	v36 =	vand.u32 $0xFF, v6;
	v6 =	vunpack.c.0.s8.s32 v41;
	v3 =	vsel vm15, $0xA, v3  }
0x7d: {  	v4 =	vsel vm15, $0x80A, v56;
	v5 =	vsel vm15, $0xB, v57;
	v3 =	vsel vm14, $0x8B, v3  }
0x7e: {  	v4 =	vsel vm14, $0x88B, v4;
	v5 =	vsel vm14, $0x8C, v5;
	v3 =	vsel vm13, $0x10C, v3  }
0x7f: {  	v4 =	vsel vm13, $0x90C, v4;
	v5 =	vsel vm13, $0x10D, v5;
	v3 =	vsel vm12, $0x18D, v3  }
0x80: {  	v4 =	vsel vm12, $0x98D, v4;
	v5 =	vsel vm12, $0x18E, v5;
	v3 =	vsel vm11, $0x20E, v3  }
0x81: {  	v4 =	vsel vm11, $0xA0E, v4;
	v5 =	vsel vm11, $0x20F, v5;
	v3 =	vsel vm10, $0x28F, v3  }
0x82: {  	v4 =	vsel vm10, $0xA8F, v4;
	v5 =	vsel vm10, $0x280, v5;
	v3 =	vsel vm9, $0x300, v3  }
0x83: {  	v4 =	vsel vm9, $0xB00, v4;
	v5 =	vsel vm9, $0x301, v5;
	v3 =	vsel vm8, $0x381, v3  }
0x84: {  	v4 =	vsel vm8, $0xB81, v4;
	v5 =	vsel vm8, $0x382, v5;
	v3 =	vsel vm7, $0x402, v3  }
0x85: {  	v4 =	vsel vm7, $0xC02, v4;
	v5 =	vsel vm7, $0x403, v5;
	v3 =	vsel vm6, $0x483, v3  }
0x86: {  	v4 =	vsel vm6, $0xC83, v4;
	v5 =	vsel vm6, $0x484, v5;
	v3 =	vsel vm5, $0x504, v3  }
0x87: {  	v4 =	vsel vm5, $0xD04, v4;
	v5 =	vsel vm5, $0x505, v5;
	v3 =	vsel vm4, $0x585, v3  }
0x88: {  	v4 =	vsel vm4, $0xD85, v4;
	v5 =	vsel vm4, $0x586, v5;
	v3 =	vsel vm3, $0x606, v3  }
0x89: {  	v4 =	vsel vm3, $0xE06, v4;
	v5 =	vsel vm3, $0x607, v5;
	v3 =	vsel vm2, $0x687, v3  }
0x8a: {  	v4 =	vsel vm2, $0xE87, v4;
	v5 =	vsel vm2, $0x688, v5;
	v3 =	vsel vm1, $0x708, v3  }
0x8b: {  	v49 =	vsel vm1, $0x709, v5;
	v5 =	vsel vm15, $0x80C, v59;
	[tilespmem:$0x1FFE0] =	vst v3;
	v3 =	vsel vm1, $0xF08, v4  }
0x8c: {  	v26 =	vsel vm0, v6, v40;
	v5 =	vsel vm14, $0x88D, v5;
	[tilespmem:$0x1FFF0] =	vst v3;
	v3 =	vimm.s32 $0xF8A  }
0x8d: {  	v5 =	vsel vm13, $0x90E, v5;
	v4 =	vsel vm15, $0xC, v58;
	v3 =	vsel vm15, $0x80B, v3  }
0x8e: {  	v5 =	vsel vm12, $0x98F, v5;
	v4 =	vsel vm14, $0x8D, v4;
	v3 =	vsel vm14, $0x88C, v3  }
0x8f: {  	v5 =	vsel vm11, $0xA00, v5;
	v4 =	vsel vm13, $0x10E, v4;
	v3 =	vsel vm13, $0x90D, v3  }
0x90: {  	v5 =	vsel vm10, $0xA81, v5;
	v4 =	vsel vm12, $0x18F, v4;
	v3 =	vsel vm12, $0x98E, v3  }
0x91: {  	v5 =	vsel vm9, $0xB02, v5;
	v4 =	vsel vm11, $0x200, v4;
	v3 =	vsel vm11, $0xA0F, v3  }
0x92: {  	v5 =	vsel vm8, $0xB83, v5;
	v4 =	vsel vm10, $0x281, v4;
	v3 =	vsel vm10, $0xA80, v3  }
0x93: {  	v5 =	vsel vm7, $0xC04, v5;
	v4 =	vsel vm9, $0x302, v4;
	v3 =	vsel vm9, $0xB01, v3  }
0x94: {  	v5 =	vsel vm6, $0xC85, v5;
	v4 =	vsel vm8, $0x383, v4;
	v3 =	vsel vm8, $0xB82, v3  }
0x95: {  	v5 =	vsel vm5, $0xD06, v5;
	v4 =	vsel vm7, $0x404, v4;
	v3 =	vsel vm7, $0xC03, v3  }
0x96: {  	v5 =	vsel vm4, $0xD87, v5;
	v4 =	vsel vm6, $0x485, v4;
	v3 =	vsel vm6, $0xC84, v3  }
0x97: {  	v5 =	vsel vm3, $0xE08, v5;
	v4 =	vsel vm5, $0x506, v4;
	v3 =	vsel vm5, $0xD05, v3  }
0x98: {  	v5 =	vsel vm2, $0xE89, v5;
	v4 =	vsel vm4, $0x587, v4;
	v3 =	vsel vm4, $0xD86, v3  }
0x99: {  	v52 =	vsel vm1, $0xF0A, v5;
	v5 =	vsel vm15, $0xE, v61;
	v3 =	vsel vm3, $0xE07, v3  }
0x9a: {  	v4 =	vsel vm3, $0x608, v4;
	v5 =	vsel vm14, $0x8F, v5;
	v3 =	vsel vm2, $0xE88, v3  }
0x9b: {  	v4 =	vsel vm2, $0x689, v4;
	v50 =	vsel vm1, $0xF09, v3;
	v3 =	vimm.s32 $0x78C  }
0x9c: {  	v5 =	vsel vm13, $0x100, v5;
	v51 =	vsel vm1, $0x70A, v4;
	v3 =	vsel vm15, $0xD, v3  }
0x9d: {  	v4 =	vsel vm15, $0x80D, v60;
	v5 =	vsel vm12, $0x181, v5;
	v3 =	vsel vm14, $0x8E, v3  }
0x9e: {  	v4 =	vsel vm14, $0x88E, v4;
	v5 =	vsel vm11, $0x202, v5;
	v3 =	vsel vm13, $0x10F, v3  }
0x9f: {  	s2 =	rddreg [dreg:$0x0];
	v4 =	vsel vm13, $0x90F, v4;
	v5 =	vsel vm10, $0x283, v5;
	v3 =	vsel vm12, $0x180, v3  }
0xa0: {  	s0 =	rddreg [dreg:$0x1];
	v4 =	vsel vm12, $0x980, v4;
	v5 =	vsel vm9, $0x304, v5;
	v3 =	vsel vm11, $0x201, v3  }
0xa1: {  	s1 =	rddreg [dreg:$0x2];
	v4 =	vsel vm11, $0xA01, v4;
	v5 =	vsel vm8, $0x385, v5;
	v3 =	vsel vm10, $0x282, v3  }
0xa2: {  	s7 =	rddreg [dreg:$0x3];
	v4 =	vsel vm10, $0xA82, v4;
	v5 =	vsel vm7, $0x406, v5;
	v3 =	vsel vm9, $0x303, v3  }
0xa3: {  	s3 =	rddreg [dreg:$0x5];
	v4 =	vsel vm9, $0xB03, v4;
	v5 =	vsel vm6, $0x487, v5;
	v3 =	vsel vm8, $0x384, v3  }
0xa4: {  	s4 =	rddreg [dreg:$0x6];
	v4 =	vsel vm8, $0xB84, v4;
	v5 =	vsel vm5, $0x508, v5;
	v3 =	vsel vm7, $0x405, v3  }
0xa5: {  	s5 =	simm.s32 $0x0;
	s8 =	srdreg.scid;
	s6 =	stileid.u32;
	v4 =	vsel vm7, $0xC05, v4;
	v5 =	vsel vm4, $0x589, v5;
	v3 =	vsel vm6, $0x486, v3  }
0xa6: {  	s17 =	simm.s32 $0x6300;
	s30 =	simm.s32 $0x200;
	s31 =	simm.s32 $0x2200;
	v4 =	vsel vm6, $0xC86, v4;
	v5 =	vsel vm3, $0x60A, v5;
	v3 =	vsel vm5, $0x507, v3  }
0xa7: {  	s16 =	simm.s32 $0x6280;
	s19 =	simm.s32 $0x0;
	[smem:$0x7FF] =	sst s5;
	[tilespmem:$0x1FE00] =	vst v15;
	v4 =	vsel vm5, $0xD07, v4;
	v5 =	vsel vm2, $0x68B, v5;
	v3 =	vsel vm4, $0x588, v3  }
0xa8: {  	s8 =	sand.u32 $0x1, s8;
	s9 =	sshll.u32 s6, $0x1;
	s10 =	smul.u32 $0x4E000, s6;
	[tilespmem:$0x1FE40] =	vst v21;
	v4 =	vsel vm4, $0xD88, v4;
	v55 =	vsel vm1, $0x70C, v5;
	v3 =	vsel vm3, $0x609, v3  }
0xa9: {  	s12 =	smul.u32 $0x2700, s6;
	p0 =	slt.u32 s6, $0x8;
	s9 =	sor.u32 s8, s9;
	[tilespmem:$0x1FE50] =	vst v8;
	v5 =	vsel vm15, $0x80F, v63;
	v4 =	vsel vm3, $0xE09, v4;
	v3 =	vsel vm2, $0x68A, v3  }
0xaa: {  	s28 =	sshll.u32 s6, $0x6;
	s8 =	ssub.s32 $0x2, s8;
	[tilespmem:$0x1FE60] =	vst v9;
	s11 =	sshll.u32 s9, $0x9;
	v4 =	vsel vm2, $0xE8A, v4;
	v53 =	vsel vm1, $0x70B, v3;
	v3 =	vimm.s32 $0xF8D  }
0xab: {  	[tilespmem:$0x1FEE0] =	vst v40;
	s21 =	sshrl.u32 s8, $0x1;
	s10 =	sshrl.u32 s10, $0x2;
	s22 =	sadd.s32 s2, s12;
	v54 =	vsel vm1, $0xF0B, v4;
	v4 =	vsel vm15, $0xF, v62;
	v3 =	vsel vm15, $0x80E, v3  }
0xac: {  	s12 =	sadd.s32 $0x138000, s4;
	s2 =	sadd.s32 $0x27000, s2;
	s9 =	sshll.u32 s9, $0x2;
	[tilespmem:$0x1FE10] =	vst v16;
	v5 =	vsel vm14, $0x880, v5;
	v4 =	vsel vm14, $0x80, v4;
	v3 =	vsel vm14, $0x88F, v3  }
0xad: {  	[tilespmem:$0x1FE80] =	vst v7;
	s11 =	sadd.s32 s11, s7;
	s8 =	ssub.s32 s8, s21;
	s10 =	sadd.s32 s10, s4;
	v5 =	vsel vm13, $0x901, v5;
	v4 =	vsel vm13, $0x101, v4;
	v3 =	vsel vm13, $0x900, v3  }
0xae: {  	s7 =	simm.s32 $0x139;
	s23 =	sadd.s32 s0, s9;
	s24 =	sadd.s32 s1, s9;
	[tilespmem:$0x1FEB0] =	vst v36;
	v5 =	vsel vm12, $0x982, v5;
	v4 =	vsel vm12, $0x182, v4;
	v3 =	vsel vm12, $0x981, v3  }
0xaf: {  	s25 =	sor.u32 $0x80, s9;
	s15 =	sadd.s32 s3, s9;
	s3 =	simm.s32 $0x4200;
	[tilespmem:$0x1FEF0] =	vst v6;
	v5 =	vsel vm11, $0xA03, v5;
	v4 =	vsel vm11, $0x203, v4;
	v3 =	vsel vm11, $0xA02, v3  }
0xb0: {  	s7 =	simm.s32 @!p0 $0x138;
	_ =	strace $0x80000047;
	[dreg:$0x8] =	wrdreg s22;
	v5 =	vsel vm10, $0xA84, v5;
	v4 =	vsel vm10, $0x284, v4;
	v3 =	vsel vm10, $0xA83, v3  }
0xb1: {  	s13 =	sadd.s32 s0, s25;
	s14 =	sadd.s32 $0x400, s11;
	[dreg:$0x9] =	wrdreg s2;
	v5 =	vsel vm9, $0xB05, v5;
	v4 =	vsel vm9, $0x305, v4;
	v3 =	vsel vm9, $0xB04, v3  }
0xb2: {  	s26 =	smax.u32 s8, $0x1;
	p0 =	sne.s32 s6, $0x0;
	[dreg:$0xa] =	wrdreg s23;
	v5 =	vsel vm8, $0xB86, v5;
	v4 =	vsel vm8, $0x386, v4;
	v3 =	vsel vm8, $0xB85, v3  }
0xb3: {  	s29 =	sshrl.u32 s10, $0x3;
	s8 =	simm.s32 $0x6;
	[dreg:$0xb] =	wrdreg s24;
	v5 =	vsel vm7, $0xC07, v5;
	v4 =	vsel vm7, $0x407, v4;
	v3 =	vsel vm7, $0xC06, v3  }
0xb4: {  	s10 =	simm.s32 $0x8;
	s11 =	simm.s32 $0xA;
	[dreg:$0xc] =	wrdreg s13;
	v5 =	vsel vm6, $0xC88, v5;
	v4 =	vsel vm6, $0x488, v4;
	v3 =	vsel vm6, $0xC87, v3  }
.Ltmp0:
0xb5: {  	s2 =	sadd.s32 s1, s25;
	[dreg:$0xe] =	wrdreg s26;
	v5 =	vsel vm5, $0xD09, v5;
	v4 =	vsel vm5, $0x509, v4;
	v3 =	vsel vm5, $0xD08, v3;
	(pc) =	sbr.rel .LBB2_1-.Ltmp0, $4  }
0xb6: {  	[dreg:$0x10] =	wrdreg s29;
	s24 =	simm.s32 $0x7;
	s25 =	simm.s32 $0x9;
	v5 =	vsel vm4, $0xD8A, v5;
	v4 =	vsel vm4, $0x58A, v4;
	v3 =	vsel vm4, $0xD89, v3  }
0xb7: {  	s13 =	simm.s32 $0x3200;
	[dreg:$0xd] =	wrdreg s2;
	s2 =	sor.u32 $0x1C0E, s28;
	v5 =	vsel vm3, $0xE0B, v5;
	v4 =	vsel vm3, $0x60B, v4;
	v3 =	vsel vm3, $0xE0A, v3  }
0xb8: {  	s23 =	simm.s32 $0x5200;
	[dreg:$0xf] =	wrdreg s2;
	s2 =	sshrl.u32 @!p0 s12, $0x3;
	v5 =	vsel vm2, $0xE8C, v5;
	v4 =	vsel vm2, $0x68C, v4;
	v3 =	vsel vm2, $0xE8B, v3  }
0xb9: {  	s12 =	simm.s32 $0x1200;
	[dreg:$0x11] =	wrdreg s2;
	s2 =	simm.s32 $0x5;
	v58 =	vsel vm1, $0xF0D, v5;
	v57 =	vsel vm1, $0x70D, v4;
	v56 =	vsel vm1, $0xF0C, v3  }
.LBB2_12:
0xba: {  	s6 =	simm.s32 $0xB  }
0xbb: {  	_ =	swait.ge [sflag:s6], $0x20  }
0xbc: {  	[sflag:s6] =	ssyncset.done $0x0  }
0xbd: {  	s18 =	simm.s32 $0xC;
	[sflag:s6] =	ssyncadd.s32 $0xFFFFFFE0  }
0xbe: {  	_ =	swait.ge [sflag:s18], $0x20  }
0xbf: {  	s19 =	rddreg [dreg:$0x12]  }
0xc0: {  	s29 =	rddreg [dreg:$0xe];
	s19 =	sadd.s32 $0x1, s19  }
0xc1: {  	p1 =	sne.s32 s19, s29  }
.Ltmp1:
0xc2: {  	_ = 	snop;
	(pc) =	sbr.rel @!p1 .LBB2_13-.Ltmp1, $3  }
0xc3: {  	_ =	sdelay $0x1  }
0xc4: {  	[sflag:s18] =	ssyncset.done $0x0  }
0xc5: {  	[sflag:s18] =	ssyncadd.s32 $0xFFFFFFE0  }
.LBB2_1:
0xc6: {  	[dreg:$0x12] =	wrdreg s19  }
0xc7: {  	s6 =	rddreg [dreg:$0x4];
	s20 =	simm.s32 $0xD  }
0xc8: {  	[tilespmem:s17], [sflag:$0xD] =	stream.linear.gather [hbm4b:s6+s5], $0x100, $0x38;
	[tilespmem:$0x19C80] =	vst v63  }
0xc9: {  	_ =	swait.ge [sflag:s20], $0x100  }
0xca: {  	s21 =	rddreg [dreg:$0x8]  }
0xcb: {  	[sflag:s20] =	ssyncset.done $0x0;
	s18 =	rddreg [dreg:$0xf]  }
0xcc: {  	s26 =	simm.s32 $0xE;
	s22 =	rddreg [dreg:$0x10];
	[sflag:s20] =	ssyncadd.s32 $0xFFFFFF00  }
0xcd: {  	[spmem:s22], [sflag:s18] =	dma.local [hbm:s21], $0x2700  }
0xce: {  	_ =	swait.ge [sflag:s26], $0x2700  }
0xcf: {  	[sflag:s26] =	ssyncset.done $0x0;
	s6 =	rddreg [dreg:$0x9]  }
0xd0: {  	s19 =	rddreg [dreg:$0x11];
	[sflag:s26] =	ssyncadd.s32 $0xFFFFD900  }
0xd1: {  	[spmem:s19], [sflag:s18] =	dma.local @!p0 [hbm:s6], $0x100  }
0xd2: {  	s18 =	simm.s32 @!p0 $0xE  }
0xd3: {  	_ =	swait.ge @!p0 [sflag:s18], $0x100  }
0xd4: {  	[sflag:s18] =	ssyncset.done @!p0 $0x0  }
0xd5: {  	[sflag:s18] =	ssyncadd.s32 @!p0 $0xFFFFFF00  }
0xd6: {  	[bflag:$0x0] =	sbarrier.arrive $0xFFFF  }
0xd7: {  	s28 =	rddreg [dreg:$0xa]  }
0xd8: {  	[tilespmem:s5], [sflag:$0x1] =	stream.linear.gather [hbm4b:s28+s5], $0x20, $0x38;
	[tilespmem:$0x19C80] =	vst v63  }
0xd9: {  	s18 =	simm.s32 $0x100;
	s29 =	rddreg [dreg:$0xb]  }
0xda: {  	[tilespmem:s18], [sflag:$0x3] =	stream.linear.gather [hbm4b:s29+s5], $0x20, $0x38;
	[tilespmem:$0x19C80] =	vst v63  }
0xdb: {  	s20 =	simm.s32 $0x80;
	s19 =	rddreg [dreg:$0xc]  }
0xdc: {  	[tilespmem:s20], [sflag:$0x2] =	stream.linear.gather [hbm4b:s19+s5], $0x20, $0x38;
	[tilespmem:$0x19C80] =	vst v63  }
0xdd: {  	s22 =	simm.s32 $0x180;
	s26 =	simm.s32 $0x1;
	s21 =	rddreg [dreg:$0xd]  }
0xde: {  	[tilespmem:s22], [sflag:$0x4] =	stream.linear.gather [hbm4b:s21+s5], $0x20, $0x38;
	[tilespmem:$0x19C80] =	vst v63  }
0xdf: {  	_ =	swait.ge [sflag:s26], $0x20  }
0xe0: {  	[sflag:s26] =	ssyncset.done $0x0  }
0xe1: {  	s28 =	simm.s32 $0x3;
	[sflag:s26] =	ssyncadd.s32 $0xFFFFFFE0  }
0xe2: {  	_ =	swait.ge [sflag:s28], $0x20  }
0xe3: {  	[sflag:s28] =	ssyncset.done $0x0  }
0xe4: {  	s29 =	simm.s32 $0x20;
	[sflag:s28] =	ssyncadd.s32 $0xFFFFFFE0  }
0xe5: {  	[tilespmem:s30], [sflag:$0x5] =	stream.indirect.gather [spmem:s4], $0x80, s5, s29, $0xb8;
	[tilespmem:$0x19C80] =	vst v63  }
.Ltmp2:
0xe6: {  	_ = 	snop;
	(pc) =	sbr.rel .LBB2_2-.Ltmp2, $4  }
0xe7: {  	_ = 	snop  }
0xe8: {  	[tilespmem:s31], [sflag:$0x7] =	stream.indirect.gather [spmem:s4], $0x80, s18, s29, $0xb8;
	[tilespmem:$0x19C80] =	vst v63  }
0xe9: {  	s18 =	simm.s32 $0x0  }
0xea: {  	[tilespmem:s3], [sflag:$0x9] =	stream.linear.gather [hbm4b:s14+s5], $0x1000, $0x38;
	[tilespmem:$0x19C80] =	vst v63  }
.LBB2_10:
0xeb: {  	_ =	sdelay $0x3  }
0xec: {  	v36 =	vld.idx.msk [tilespmem:v30+s12+$0x0], $0xffff  }
0xed: {  	v30 =	vld.idx.msk [tilespmem:v30+s13+$0x0], $0xffff  }
0xee: {  	v37 =	vld.idx.msk [tilespmem:v35+s12+$0x0], $0xffff  }
0xef: {  	v48 =	vld.idx.msk [tilespmem:v35+s13+$0x0], $0xffff  }
0xf0: {  	v38 =	vld.idx.msk [tilespmem:v29+s12+$0x0], $0xffff  }
0xf1: {  	v19 =	vor.u32 v2, v19;
	v29 =	vld.idx.msk [tilespmem:v29+s13+$0x0], $0xffff  }
0xf2: {  	v44 =	vor.u32 v2, v3;
	v3 =	vld.idx.msk [tilespmem:v3+s17+$0x0], $0xffff  }
0xf3: {  	v12 =	vor.u32 v2, v12;
	v24 =	vmul.f32 v25, v24;
	v46 =	vld [tilespmem:$0x1FD90]  }
0xf4: {  	v25 =	vld [tilespmem:$0x1FE00]  }
0xf5: {  	v10 =	vor.u32 v2, v10;
	v42 =	vor.u32 v2, v63;
	v63 =	vmul.f32 v24, v60;
	v24 =	vld [tilespmem:$0x1FE30]  }
0xf6: {  	v39 =	vld.idx.msk [tilespmem:v19+s12+$0x0], $0xffff  }
0xf7: {  	v8 =	vor.u32 v2, v8;
	v19 =	vld.idx.msk [tilespmem:v19+s13+$0x0], $0xffff  }
0xf8: {  	v40 =	vld.idx.msk [tilespmem:v12+s12+$0x0], $0xffff  }
0xf9: {  	v7 =	vor.u32 v2, v7;
	v12 =	vld.idx.msk [tilespmem:v12+s13+$0x0], $0xffff  }
0xfa: {  	v41 =	vld.idx.msk [tilespmem:v10+s12+$0x0], $0xffff  }
0xfb: {  	v10 =	vld.idx.msk [tilespmem:v10+s13+$0x0], $0xffff  }
0xfc: {  	v43 =	vld.idx.msk [tilespmem:v8+s12+$0x0], $0xffff  }
0xfd: {  	v8 =	vld.idx.msk [tilespmem:v8+s13+$0x0], $0xffff  }
0xfe: {  	v13 =	vmul.f32 v15, v13;
	v15 =	vld.idx.msk [tilespmem:v7+s12+$0x0], $0xffff  }
0xff: {  	v7 =	vld.idx.msk [tilespmem:v7+s13+$0x0], $0xffff  }
0x100: {  	v13 =	vmul.f32 v13, v5;
	v29 =	vmul.f32 v29, v38;
	v38 =	vld.idx.msk [tilespmem:v42+s12+$0x0], $0xffff  }
0x101: {  	v16 =	vmul.f32 v21, v16;
	v21 =	vld.idx.msk [tilespmem:v42+s13+$0x0], $0xffff  }
0x102: {  	v11 =	vadd.f32 v13, v11;
	v13 =	vld.idx.msk [tilespmem:v44+s12+$0x0], $0xffff  }
0x103: {  	v14 =	vmul.f32 v18, v14;
	v18 =	vld.idx.msk [tilespmem:v44+s13+$0x0], $0xffff;
	v45 =	vmul.f32 v30, v36  }
0x104: {  	v35 =	vmul.f32 v48, v37;
	v48 =	vmul.f32 v16, v5;
	v44 =	vld [tilespmem:$0x1FEB0]  }
0x105: {  	v22 =	vmul.f32 v23, v22;
	v23 =	vmul.f32 v45, v62;
	v45 =	vld [tilespmem:$0x1FEC0]  }
0x106: {  	v5 =	vadd.f32 v48, v9;
	v48 =	vld [tilespmem:$0x1FDA0]  }
0x107: {  	v17 =	vmul.f32 v20, v17;
	v20 =	vld.idx.msk [tilespmem:v46+s17+$0x0], $0xffff  }
0x108: {  	v29 =	vmul.f32 v29, v6;
	v25 =	vld.idx.msk [tilespmem:v25+s23+$0x0], $0xffff  }
0x109: {  	v46 =	vld [tilespmem:$0x1FDB0]  }
0x10a: {  	v30 =	vmul.f32 v35, v4;
	v11 =	vadd.f32 v29, v11;
	v19 =	vmul.f32 v19, v39;
	v39 =	vld [tilespmem:$0x1FE20]  }
0x10b: {  	v29 =	vsel vm0, v28, v27;
	v24 =	vld.idx.msk [tilespmem:v24+s23+$0x0], $0xffff  }
0x10c: {  	v47 =	vcombine.low v29, v26;
	v12 =	vmul.f32 v12, v40;
	v40 =	vld [tilespmem:$0x1FEA0];
	v11 =	vadd.f32 v30, v11  }
0x10d: {  	v10 =	vmul.f32 v10, v41;
	v30 =	vld [tilespmem:$0x1FE10]  }
0x10e: {  	v35 =	vand.u32 $0xFF, v47;
	v47 =	vld [tilespmem:$0x1FDC0];
	v11 =	vadd.f32 v23, v11  }
0x10f: {  	v10 =	vmul.f32 v10, v62;
	v62 =	vld [tilespmem:$0x1FF20]  }
0x110: {  	v17 =	vmul.f32 v17, v61;
	v11 =	vadd.f32 v63, v11;
	v63 =	vld [tilespmem:$0x1FDD0]  }
0x111: {  	v36 =	vsel vm0, v32, v31;
	v37 =	vsel vm0, v34, v33;
	v6 =	vmul.f32 v19, v6;
	v19 =	vld.idx.msk [tilespmem:v45+s23+$0x0], $0xffff  }
0x112: {  	v42 =	vcombine.low v37, v36;
	v45 =	vld [tilespmem:$0x1FE70]  }
0x113: {  	v11 =	vadd.f32 v17, v11;
	v17 =	vld.idx.msk [tilespmem:v35+s17+$0x0], $0xffff  }
0x114: {  	v23 =	vld.idx.msk [tilespmem:v39+s17+$0x0], $0xffff;
	v39 =	vand.u32 $0xFF, v42  }
0x115: {  	v9 =	vld.idx.msk [tilespmem:v40+s23+$0x0], $0xffff;
	v40 =	vsel vm0, v47, v46;
	v42 =	vsel vm0, v48, v63  }
0x116: {  	v48 =	vld [tilespmem:$0x1FF00];
	v47 =	vcombine.low v42, v40  }
0x117: {  	v4 =	vmul.f32 v12, v4;
	v12 =	vmul.f32 v22, v59;
	v46 =	vld [tilespmem:$0x1FED0]  }
0x118: {  	v35 =	vand.u32 $0xFF, v47;
	v47 =	vld [tilespmem:$0x1FF10]  }
0x119: {  	v11 =	vadd.f32 v12, v11;
	v12 =	vld.idx.msk [tilespmem:v39+s17+$0x0], $0xffff  }
0x11a: {  	v39 =	vld.idx.msk [tilespmem:v62+s23+$0x0], $0xffff  }
0x11b: {  	v62 =	vld [tilespmem:$0x1FF40]  }
0x11c: {  	v30 =	vld.idx.msk [tilespmem:v30+s23+$0x0], $0xffff  }
0x11d: {  	v63 =	vld [tilespmem:$0x1FE50]  }
0x11e: {  	v8 =	vmul.f32 v8, v43;
	v22 =	vld.idx.msk [tilespmem:v48+s23+$0x0], $0xffff  }
0x11f: {  	v5 =	vadd.f32 v6, v5;
	v48 =	vld [tilespmem:$0x1FE60]  }
0x120: {  	v8 =	vmul.f32 v8, v60;
	v60 =	vmul.f32 v25, v20;
	v25 =	vld.idx.msk [tilespmem:v35+s17+$0x0], $0xffff  }
0x121: {  	v4 =	vadd.f32 v4, v5;
	v5 =	vld.idx.msk [tilespmem:v47+s23+$0x0], $0xffff  }
0x122: {  	v47 =	vld [tilespmem:$0x1FF30]  }
0x123: {  	v35 =	vld.idx.msk [tilespmem:v62+s23+$0x0], $0xffff  }
0x124: {  	v62 =	vld [tilespmem:$0x1FF60]  }
0x125: {  	v41 =	vsel vm0, v48, v63;
	v63 =	vld [tilespmem:$0x1FE40]  }
0x126: {  	v14 =	vmul.f32 v14, v3;
	v16 =	vld.idx.msk [tilespmem:v44+s17+$0x0], $0xffff;
	v20 =	vmul.f32 v30, v20  }
0x127: {  	v30 =	vcombine.low v36, v37;
	v37 =	vcombine.low v40, v42;
	v40 =	vld [tilespmem:$0x1FFE0]  }
0x128: {  	v6 =	vld.idx.msk [tilespmem:v46+s23+$0x0], $0xffff  }
0x129: {  	v11 =	vadd.f32 v14, v11;
	v46 =	vld [tilespmem:$0x1FEE0]  }
0x12a: {  	v44 =	vsel vm0, v63, v45;
	v63 =	vld [tilespmem:$0x1FEF0]  }
0x12b: {  	v7 =	vmul.f32 v7, v15;
	v11 =	vadd.f32 v60, v11;
	v60 =	vld [tilespmem:$0x1FF50];
	v48 =	vcombine.low v44, v41  }
0x12c: {  	v4 =	vadd.f32 v10, v4;
	v10 =	vld.idx.msk [tilespmem:v47+s23+$0x0], $0xffff  }
0x12d: {  	v7 =	vmul.f32 v7, v61;
	v61 =	vmul.f32 v19, v16;
	v19 =	vld.idx.msk [tilespmem:v62+s23+$0x0], $0xffff;
	v43 =	vand.u32 $0xFF, v48  }
0x12e: {  	v21 =	vmul.f32 v21, v38;
	v9 =	vmul.f32 v9, v23;
	v62 =	vld [tilespmem:$0x1FF80]  }
0x12f: {  	v46 =	vsel vm0, v46, v28;
	v45 =	vsel vm0, v27, v63;
	v63 =	vmul.f32 v24, v23;
	v23 =	vld.idx.msk [tilespmem:v40+s23+$0x0], $0xffff  }
0x130: {  	v48 =	vcombine.low v46, v45;
	v42 =	vcombine.low v45, v46;
	v45 =	vld.idx.msk [tilespmem:v51+s23+$0x0], $0xffff  }
0x131: {  	v11 =	vadd.f32 v63, v11;
	v63 =	vmul.f32 v21, v59;
	v59 =	vld [tilespmem:$0x1FDE0]  }
0x132: {  	v4 =	vadd.f32 v8, v4;
	v8 =	vld.idx.msk [tilespmem:v43+s17+$0x0], $0xffff  }
0x133: {  	v47 =	vsel vm0, v33, v32;
	v15 =	vand.u32 $0xFF, v48;
	v48 =	vsel vm0, v31, v34;
	v43 =	vld [tilespmem:$0x1FE90]  }
0x134: {  	v24 =	vcombine.low v48, v47;
	v47 =	vld.idx.msk [tilespmem:v60+s23+$0x0], $0xffff  }
0x135: {  	v60 =	vld [tilespmem:$0x1FDF0]  }
0x136: {  	v4 =	vadd.f32 v7, v4;
	v48 =	vld [tilespmem:$0x1FF70]  }
0x137: {  	v7 =	vld.idx.msk [tilespmem:v62+s23+$0x0], $0xffff  }
0x138: {  	v13 =	vmul.f32 v18, v13;
	v4 =	vadd.f32 v63, v4;
	v63 =	vld [tilespmem:$0x1FE80]  }
0x139: {  	v29 =	vcombine.low v26, v29;
	v62 =	vld [tilespmem:$0x1FFA0]  }
0x13a: {  	v3 =	vmul.f32 v13, v3;
	v15 =	vld.idx.msk [tilespmem:v15+s17+$0x0], $0xffff;
	v38 =	vcombine.low v59, v60  }
0x13b: {  	v29 =	vand.u32 $0xFF, v29;
	v59 =	vld [tilespmem:$0x1FF90]  }
0x13c: {  	v24 =	vand.u32 $0xFF, v24;
	v3 =	vadd.f32 v3, v4;
	v18 =	vand.u32 $0xFF, v38;
	v38 =	vld [tilespmem:$0x1FFC0]  }
0x13d: {  	v11 =	vadd.f32 v61, v11;
	v61 =	vmul.f32 v22, v17;
	v22 =	vcombine.low v63, v43;
	v63 =	vld [tilespmem:$0x1FFB0]  }
0x13e: {  	v3 =	vadd.f32 v20, v3;
	v43 =	vld.idx.msk [tilespmem:v49+s23+$0x0], $0xffff  }
0x13f: {  	v11 =	vadd.f32 v61, v11;
	v21 =	vld.idx.msk [tilespmem:v48+s23+$0x0], $0xffff;
	v48 =	vmul.f32 v39, v12  }
0x140: {  	v36 =	vmul.f32 v19, v8;
	v19 =	vand.u32 $0xFF, v37;
	v3 =	vadd.f32 v9, v3;
	v9 =	vld.idx.msk [tilespmem:v29+s17+$0x0], $0xffff  }
0x141: {  	v61 =	vmul.f32 v35, v25;
	v24 =	vld.idx.msk [tilespmem:v24+s17+$0x0], $0xffff;
	v22 =	vand.u32 $0xFF, v22;
	v60 =	vadd.f32 v48, v11  }
0x142: {  	v13 =	vld.idx.msk [tilespmem:v62+s23+$0x0], $0xffff  }
0x143: {  	v4 =	vadd.f32 v61, v60;
	v18 =	vld.idx.msk [tilespmem:v18+s17+$0x0], $0xffff  }
0x144: {  	v30 =	vand.u32 $0xFF, v30;
	v20 =	vld.idx.msk [tilespmem:v38+s23+$0x0], $0xffff  }
0x145: {  	v5 =	vmul.f32 v5, v17;
	v7 =	vmul.f32 v7, v15;
	v17 =	vld.idx.msk [tilespmem:v19+s17+$0x0], $0xffff;
	v4 =	vadd.f32 v36, v4  }
0x146: {  	v11 =	vld.idx.msk [tilespmem:v22+s17+$0x0], $0xffff  }
0x147: {  	v39 =	vcombine.low v41, v44;
	v14 =	vld.idx.msk [tilespmem:v59+s23+$0x0], $0xffff;
	v41 =	vmul.f32 v13, v24;
	v4 =	vadd.f32 v7, v4  }
0x148: {  	v6 =	vmul.f32 v6, v16;
	v35 =	vld.idx.msk [tilespmem:v63+s23+$0x0], $0xffff  }
0x149: {  	v22 =	vand.u32 $0xFF, v39;
	v36 =	vld [tilespmem:$0x1FFD0];
	v4 =	vadd.f32 v41, v4;
	v44 =	vmul.f32 v20, v18  }
0x14a: {  	v3 =	vadd.f32 v6, v3;
	v20 =	vld.idx.msk [tilespmem:v30+s17+$0x0], $0xffff  }
0x14b: {  	v13 =	vand.u32 $0xFF, v42;
	v38 =	vld [tilespmem:$0x1FFF0];
	v46 =	vmul.f32 v23, v11;
	v4 =	vadd.f32 v44, v4  }
0x14c: {  	v3 =	vadd.f32 v5, v3;
	v48 =	vmul.f32 v10, v12;
	v59 =	vld.idx.msk [tilespmem:v53+s23+$0x0], $0xffff  }
0x14d: {  	v60 =	vmul.f32 v43, v9;
	v63 =	vld.idx.msk [tilespmem:v55+s23+$0x0], $0xffff;
	v4 =	vadd.f32 v46, v4  }
0x14e: {  	v62 =	vmul.f32 v47, v25;
	v3 =	vadd.f32 v48, v3;
	v61 =	vld.idx.msk [tilespmem:v22+s17+$0x0], $0xffff  }
0x14f: {  	v23 =	vld.idx.msk [tilespmem:v57+s23+$0x0], $0xffff;
	v6 =	vmul.f32 v45, v20;
	v4 =	vadd.f32 v60, v4  }
0x150: {  	v3 =	vadd.f32 v62, v3;
	v22 =	vmul.f32 v21, v8;
	v19 =	vld.idx.msk [tilespmem:v13+s17+$0x0], $0xffff  }
0x151: {  	v10 =	vmul.f32 v59, v17;
	v4 =	vadd.f32 v6, v4;
	v6 =	vld.idx.msk [tilespmem:v36+s23+$0x0], $0xffff  }
0x152: {  	v37 =	vmul.f32 v14, v15;
	v3 =	vadd.f32 v22, v3  }
0x153: {  	v39 =	vmul.f32 v63, v61;
	v4 =	vadd.f32 v10, v4;
	v10 =	vld.idx.msk [tilespmem:v38+s23+$0x0], $0xffff  }
0x154: {  	v40 =	vmul.f32 v35, v24;
	v3 =	vadd.f32 v37, v3  }
0x155: {  	v41 =	vld.idx.msk [tilespmem:v50+s23+$0x0], $0xffff;
	v8 =	vmul.f32 v23, v19;
	v4 =	vadd.f32 v39, v4  }
0x156: {  	v3 =	vadd.f32 v40, v3;
	v42 =	vmul.f32 v6, v18  }
0x157: {  	v43 =	vld.idx.msk [tilespmem:v52+s23+$0x0], $0xffff;
	v4 =	vadd.f32 v8, v4  }
0x158: {  	v3 =	vadd.f32 v42, v3;
	v44 =	vmul.f32 v10, v11  }
0x159: {  	v45 =	vld.idx.msk [tilespmem:v54+s23+$0x0], $0xffff;
	v4 =	vsub.f32 $0.0e+00, v4  }
0x15a: {  	v46 =	vmul.f32 v41, v9;
	v3 =	vadd.f32 v44, v3  }
0x15b: {  	v47 =	vld.idx.msk [tilespmem:v56+s23+$0x0], $0xffff;
	v4 =	vmul.f32 $1.442695020e+00, v4  }
0x15c: {  	v48 =	vmul.f32 v43, v20;
	v3 =	vadd.f32 v46, v3  }
0x15d: {  	v59 =	vld.idx.msk [tilespmem:v58+s23+$0x0], $0xffff;
	(erf) = vpow2.f32 v4  }
0x15e: {  	v60 =	vmul.f32 v45, v17;
	v3 =	vadd.f32 v48, v3;
	_ =	sdelay $0x1  }
0x15f: {  	v61 =	vmul.f32 v47, v61;
	v3 =	vadd.f32 v60, v3;
	_ =	sdelay $0x1  }
0x160: {  	v4 =	vmul.f32 v59, v19;
	v3 =	vadd.f32 v61, v3;
	_ =	sdelay $0x1  }
0x161: {  	v3 =	vadd.f32 v4, v3;
	_ =	sdelay $0x1  }
0x162: {  	v62 =	vpop (erf);
	v3 =	vsub.f32 $0.0e+00, v3  }
0x163: {  	v4 =	vadd.f32 $1.000000000e+00, v62  }
0x164: {  	v3 =	vmul.f32 $1.442695020e+00, v3  }
0x165: {  	(erf) = vrcp.f32 v4  }
0x166: {  	(erf) = vpow2.f32 v3;
	_ =	sdelay $0x7  }
0x167: {  	v3 =	vpop (erf)  }
0x168: {  	v63 =	vpop (erf)  }
0x169: {  	v4 =	vadd.f32 $1.000000000e+00, v63;
	_ =	sdelay $0x1  }
0x16a: {  	(erf) = vrcp.f32 v4;
	_ =	sdelay $0x8  }
0x16b: {  	s6 =	sshll.u32 s21, $0x7;
	[tilespmem:$0x6280] =	vst v3;
	v3 =	vpop (erf)  }
0x16c: {  	s6 =	sadd.s32 s6, s15;
	[tilespmem:$0x6290] =	vst v3  }
0x16d: {  	[hbm4b:s6+s5] =	stream.linear.scatter [tilespmem:s16], [sflag:$0xC], $0x20, $0x38;
	[tilespmem:$0x19C80] =	vst v63  }
.LBB2_11:
0x16e: {  	s18 =	sadd.s32 $0x1, s18  }
0x16f: {  	p1 =	sne.s32 s18, $0x9D  }
.Ltmp3:
0x170: {  	_ = 	snop;
	(pc) =	sbr.rel @!p1 .LBB2_12-.Ltmp3, $1  }
0x171: {  	_ =	sdelay $0x3  }
.LBB2_2:
0x172: {  	s26 =	sshll.u32 s18, $0x1  }
0x173: {  	p1 =	slt.u32 s26, s7  }
.Ltmp4:
0x174: {  	_ = 	snop;
	(pc) =	sbr.rel @!p1 .LBB2_3-.Ltmp4, $1  }
0x175: {  	_ =	sdelay $0x3  }
0x176: {  	_ =	swait.ge [sflag:s2], $0x1000  }
0x177: {  	[sflag:s2] =	ssyncset.done $0x0  }
0x178: {  	[sflag:s2] =	ssyncadd.s32 $0xFFFFF000  }
0x179: {  	_ =	swait.ge [sflag:s24], $0x1000  }
0x17a: {  	[sflag:s24] =	ssyncset.done $0x0  }
0x17b: {  	[sflag:s24] =	ssyncadd.s32 $0xFFFFF000  }
0x17c: {  	s21 =	sor.u32 $0x1, s26;
	_ =	swait.ge [sflag:s25], $0x1000  }
0x17d: {  	p1 =	sge.u32 s21, s7;
	[sflag:s25] =	ssyncset.done $0x0  }
0x17e: {  	s28 =	simm.s32 @!p1 $0x2;
	[sflag:s25] =	ssyncadd.s32 $0xFFFFF000  }
0x17f: {  	_ =	swait.ge @!p1 [sflag:s28], $0x20  }
0x180: {  	[sflag:s28] =	ssyncset.done @!p1 $0x0  }
0x181: {  	[sflag:s28] =	ssyncadd.s32 @!p1 $0xFFFFFFE0;
	s28 =	simm.s32 @!p1 $0x4  }
0x182: {  	_ =	swait.ge @!p1 [sflag:s28], $0x20  }
0x183: {  	s20 =	simm.s32 @!p1 $0x80;
	[sflag:s28] =	ssyncset.done @!p1 $0x0  }
0x184: {  	s29 =	simm.s32 @!p1 $0x1200;
	[sflag:s28] =	ssyncadd.s32 @!p1 $0xFFFFFFE0;
	s28 =	simm.s32 @!p1 $0x20  }
0x185: {  	[tilespmem:s29], [sflag:$0x6] =	stream.indirect.gather @!p1 [spmem:s4], $0x80, s20, s28, $0xb8;
	[tilespmem:$0x19C80] =	vst v63  }
0x186: {  	s20 =	simm.s32 @!p1 $0x180;
	s29 =	simm.s32 @!p1 $0x3200  }
0x187: {  	[tilespmem:s29], [sflag:$0x8] =	stream.indirect.gather @!p1 [spmem:s4], $0x80, s20, s28, $0xb8;
	[tilespmem:$0x19C80] =	vst v63  }
0x188: {  	s20 =	sshll.u32 @!p1 s21, $0xE  }
0x189: {  	s28 =	simm.s32 @!p1 $0x0;
	s29 =	simm.s32 @!p1 $0x5200;
	s20 =	sadd.s32 @!p1 s20, s14  }
0x18a: {  	[tilespmem:s29], [sflag:$0xA] =	stream.linear.gather @!p1 [hbm4b:s20+s28], $0x1000, $0x38;
	[tilespmem:$0x19C80] =	vst v63  }
0x18b: {  	s20 =	sadd.s32 $0x2, s26  }
0x18c: {  	p1 =	sge.u32 s20, s7  }
0x18d: {  	s20 =	sshll.u32 @!p1 s20, $0x7  }
0x18e: {  	s20 =	sor.u32 @!p1 s9, s20  }
0x18f: {  	s22 =	simm.s32 $0x0;
	s29 =	simm.s32 @!p1 $0x0;
	s28 =	sadd.s32 @!p1 s0, s20  }
0x190: {  	[tilespmem:s29], [sflag:$0x1] =	stream.linear.gather @!p1 [hbm4b:s28+s29], $0x20, $0x38;
	[tilespmem:$0x19C80] =	vst v63  }
0x191: {  	v3 =	vadd.s32 s22, v0;
	s22 =	simm.s32 $0x1;
	s20 =	sadd.s32 @!p1 s1, s20;
	s28 =	simm.s32 @!p1 $0x100  }
0x192: {  	[tilespmem:s28], [sflag:$0x3] =	stream.linear.gather @!p1 [hbm4b:s20+s29], $0x20, $0x38;
	[tilespmem:$0x19C80] =	vst v63  }
0x193: {  	v3 =	vand.u32 $0x7F, v3;
	v6 =	vadd.s32 s22, v0;
	p1 =	seq.s32 s18, $0x0  }
0x194: {  	v19 =	vand.u32 $0x7F, v6;
	s20 =	simm.s32 @!p1 $0xB  }
0x195: {  	v9 =	vor.u32 v1, v3;
	s28 =	simm.s32 $0x5;
	_ =	swait.ge @!p1 [sflag:s20], $0x20  }
0x196: {  	v5 =	vadd.s32 s28, v0;
	s28 =	simm.s32 $0x3;
	[sflag:s20] =	ssyncset.done @!p1 $0x0  }
0x197: {  	v11 =	vor.u32 v2, v3;
	s29 =	simm.s32 $0x6;
	v7 =	vand.u32 $0x7F, v5;
	v5 =	vadd.s32 s28, v0;
	[sflag:s20] =	ssyncadd.s32 @!p1 $0xFFFFFFE0  }
0x198: {  	v4 =	vadd.s32 s29, v0;
	v10 =	vand.u32 $0x7F, v5;
	v5 =	vld.idx.msk [tilespmem:v3+s17+$0x0], $0xffff  }
0x199: {  	s6 =	simm.s32 $0x4;
	v63 =	vand.u32 $0x7F, v4;
	v6 =	vld.idx.msk [tilespmem:v19+s17+$0x0], $0xffff  }
0x19a: {  	v4 =	vadd.s32 s6, v0;
	v13 =	vld.idx.msk [tilespmem:v9+s30+$0x0], $0xffff  }
0x19b: {  	s19 =	simm.s32 $0x2;
	v8 =	vand.u32 $0x7F, v4;
	v15 =	vld.idx.msk [tilespmem:v9+s31+$0x0], $0xffff  }
0x19c: {  	v4 =	vadd.s32 s19, v0;
	v16 =	vld.idx.msk [tilespmem:v11+s30+$0x0], $0xffff  }
0x19d: {  	v12 =	vand.u32 $0x7F, v4;
	v21 =	vld.idx.msk [tilespmem:v11+s31+$0x0], $0xffff  }
0x19e: {  	v25 =	vor.u32 v1, v8;
	v59 =	vld.idx.msk [tilespmem:v63+s17+$0x0], $0xffff  }
0x19f: {  	v61 =	vld.idx.msk [tilespmem:v7+s17+$0x0], $0xffff  }
0x1a0: {  	s29 =	simm.s32 $0x7;
	v9 =	vor.u32 v1, v63;
	v60 =	vld.idx.msk [tilespmem:v8+s17+$0x0], $0xffff  }
0x1a1: {  	v4 =	vadd.s32 s29, v0;
	v62 =	vld.idx.msk [tilespmem:v10+s17+$0x0], $0xffff  }
0x1a2: {  	v3 =	vand.u32 $0x7F, v4;
	v11 =	vor.u32 v1, v7;
	v4 =	vld.idx.msk [tilespmem:v12+s17+$0x0], $0xffff  }
0x1a3: {  	v17 =	vor.u32 v1, v3;
	v24 =	vld.idx.msk [tilespmem:v25+s30+$0x0], $0xffff  }
0x1a4: {  	v25 =	vld.idx.msk [tilespmem:v25+s31+$0x0], $0xffff  }
0x1a5: {  	v22 =	vld.idx.msk [tilespmem:v9+s30+$0x0], $0xffff  }
0x1a6: {  	v30 =	vor.u32 v1, v10;
	v23 =	vld.idx.msk [tilespmem:v9+s31+$0x0], $0xffff  }
0x1a7: {  	v20 =	vld.idx.msk [tilespmem:v11+s31+$0x0], $0xffff  }
0x1a8: {  	v35 =	vor.u32 v1, v12;
	v14 =	vld.idx.msk [tilespmem:v17+s30+$0x0], $0xffff  }
0x1a9: {  	v18 =	vld.idx.msk [tilespmem:v17+s31+$0x0], $0xffff  }
0x1aa: {  	v29 =	vor.u32 v1, v19;
	s28 =	simm.s32 $0x8;
	v9 =	vimm.f32 $0.0e+00;
	v17 =	vld.idx.msk [tilespmem:v11+s30+$0x0], $0xffff;
	v11 =	vimm.f32 $0.0e+00  }
.LBB2_5:
0x1ab: {  	p1 =	slt.u32 s28, $0x78;
	v36 =	vld.idx.msk [tilespmem:v30+s30+$0x0], $0xffff  }
0x1ac: {  	v19 =	vor.u32 v2, v19;
	v30 =	vld.idx.msk [tilespmem:v30+s31+$0x0], $0xffff  }
0x1ad: {  	v37 =	vld.idx.msk [tilespmem:v35+s30+$0x0], $0xffff  }
0x1ae: {  	v12 =	vor.u32 v2, v12;
	v35 =	vld.idx.msk [tilespmem:v35+s31+$0x0], $0xffff  }
0x1af: {  	v38 =	vld.idx.msk [tilespmem:v29+s30+$0x0], $0xffff  }
0x1b0: {  	v39 =	vadd.s32 s28, v0;
	s20 =	sadd.s32 $0x5, s28;
	s29 =	sadd.s32 $0x6, s28;
	s19 =	sadd.s32 $0x7, s28;
	v10 =	vor.u32 v2, v10;
	v29 =	vld.idx.msk [tilespmem:v29+s31+$0x0], $0xffff  }
0x1b1: {  	s22 =	sadd.s32 $0x3, s28;
	s6 =	sadd.s32 $0x4, s28;
	v40 =	vadd.s32 s20, v0;
	v41 =	vadd.s32 s29, v0;
	v42 =	vadd.s32 s19, v0;
	v43 =	vld.idx.msk [tilespmem:v19+s30+$0x0], $0xffff  }
0x1b2: {  	v8 =	vor.u32 v2, v8;
	s19 =	sadd.s32 $0x1, s28;
	s20 =	sadd.s32 $0x2, s28;
	v44 =	vadd.s32 s22, v0;
	v45 =	vadd.s32 s6, v0;
	v19 =	vld.idx.msk [tilespmem:v19+s31+$0x0], $0xffff  }
0x1b3: {  	v39 =	vand.u32 $0x7F, v39;
	v46 =	vadd.s32 s19, v0;
	v47 =	vadd.s32 s20, v0;
	v48 =	vld.idx.msk [tilespmem:v12+s30+$0x0], $0xffff  }
0x1b4: {  	v13 =	vmul.f32 v15, v13;
	v15 =	vmul.f32 v21, v16;
	v16 =	vor.u32 v2, v7;
	v12 =	vld.idx.msk [tilespmem:v12+s31+$0x0], $0xffff  }
0x1b5: {  	v22 =	vmul.f32 v23, v22;
	v14 =	vmul.f32 v18, v14;
	v21 =	vand.u32 $0x7F, v42;
	v42 =	vld.idx.msk [tilespmem:v10+s30+$0x0], $0xffff  }
0x1b6: {  	v17 =	vmul.f32 v20, v17;
	v20 =	vor.u32 v2, v63;
	v23 =	vmul.f32 v25, v24;
	v18 =	vld.idx.msk [tilespmem:v10+s31+$0x0], $0xffff  }
0x1b7: {  	v63 =	vand.u32 $0x7F, v41;
	v25 =	vmul.f32 v30, v36;
	v24 =	vmul.f32 v35, v37;
	v30 =	vld.idx.msk [tilespmem:v8+s30+$0x0], $0xffff  }
0x1b8: {  	v35 =	vor.u32 v2, v3;
	v10 =	vmul.f32 v29, v38;
	v19 =	vmul.f32 v19, v43;
	v29 =	vld.idx.msk [tilespmem:v8+s31+$0x0], $0xffff  }
0x1b9: {  	v7 =	vand.u32 $0x7F, v40;
	v13 =	vmul.f32 v13, v5;
	v5 =	vmul.f32 v15, v5;
	v15 =	vld.idx.msk [tilespmem:v16+s30+$0x0], $0xffff  }
0x1ba: {  	v8 =	vand.u32 $0x7F, v45;
	v36 =	vmul.f32 v10, v6;
	v12 =	vmul.f32 v12, v48;
	v16 =	vld.idx.msk [tilespmem:v16+s31+$0x0], $0xffff  }
0x1bb: {  	v11 =	vadd.f32 v13, v11;
	v5 =	vadd.f32 v5, v9;
	v6 =	vmul.f32 v19, v6;
	v9 =	vld.idx.msk [tilespmem:v20+s30+$0x0], $0xffff  }
0x1bc: {  	v13 =	vmul.f32 v24, v4;
	v10 =	vand.u32 $0x7F, v44;
	v18 =	vmul.f32 v18, v42;
	v20 =	vld.idx.msk [tilespmem:v20+s31+$0x0], $0xffff  }
0x1bd: {  	v11 =	vadd.f32 v36, v11;
	v6 =	vadd.f32 v6, v5;
	v4 =	vmul.f32 v12, v4;
	v24 =	vld.idx.msk [tilespmem:v35+s30+$0x0], $0xffff  }
0x1be: {  	v25 =	vmul.f32 v25, v62;
	v12 =	vand.u32 $0x7F, v47;
	v29 =	vmul.f32 v29, v30;
	v30 =	vld.idx.msk [tilespmem:v35+s31+$0x0], $0xffff  }
0x1bf: {  	v11 =	vadd.f32 v13, v11;
	v4 =	vadd.f32 v4, v6;
	v6 =	vmul.f32 v18, v62;
	v5 =	vld.idx.msk [tilespmem:v39+s17+$0x0], $0xffff  }
0x1c0: {  	v19 =	vand.u32 $0x7F, v46;
	v13 =	vmul.f32 v23, v60;
	v15 =	vmul.f32 v16, v15;
	v16 =	vld.idx.msk [tilespmem:v3+s17+$0x0], $0xffff;
	v3 =	vmovc v21  }
0x1c1: {  	v11 =	vadd.f32 v25, v11;
	v4 =	vadd.f32 v6, v4;
	v6 =	vmul.f32 v29, v60;
	v18 =	vld.idx.msk [tilespmem:v63+s17+$0x0], $0xffff  }
0x1c2: {  	v17 =	vmul.f32 v17, v61;
	v21 =	vor.u32 v1, v39;
	v9 =	vmul.f32 v20, v9;
	v23 =	vld.idx.msk [tilespmem:v7+s17+$0x0], $0xffff  }
0x1c3: {  	v11 =	vadd.f32 v13, v11;
	v6 =	vadd.f32 v6, v4;
	v13 =	vmul.f32 v15, v61;
	v60 =	vld.idx.msk [tilespmem:v8+s17+$0x0], $0xffff  }
0x1c4: {  	v20 =	vor.u32 v2, v39;
	v15 =	vmul.f32 v22, v59;
	v22 =	vmul.f32 v30, v24;
	v62 =	vld.idx.msk [tilespmem:v10+s17+$0x0], $0xffff  }
0x1c5: {  	v11 =	vadd.f32 v17, v11;
	v17 =	vadd.f32 v13, v6;
	v9 =	vmul.f32 v9, v59;
	v4 =	vld.idx.msk [tilespmem:v12+s17+$0x0], $0xffff  }
0x1c6: {  	v24 =	vor.u32 v1, v3;
	v14 =	vmul.f32 v14, v16;
	v6 =	vld.idx.msk [tilespmem:v19+s17+$0x0], $0xffff  }
0x1c7: {  	v11 =	vadd.f32 v15, v11;
	v9 =	vadd.f32 v9, v17;
	v17 =	vmul.f32 v22, v16;
	v13 =	vld.idx.msk [tilespmem:v21+s30+$0x0], $0xffff  }
0x1c8: {  	v25 =	vor.u32 v1, v63;
	v59 =	vmov v18;
	v61 =	vmov v23;
	v15 =	vld.idx.msk [tilespmem:v21+s31+$0x0], $0xffff  }
0x1c9: {  	v11 =	vadd.f32 v14, v11;
	v9 =	vadd.f32 v17, v9;
	v16 =	vld.idx.msk [tilespmem:v20+s30+$0x0], $0xffff  }
0x1ca: {  	v21 =	vld.idx.msk [tilespmem:v20+s31+$0x0], $0xffff;
	v20 =	vor.u32 v1, v7  }
0x1cb: {  	v14 =	vld.idx.msk [tilespmem:v24+s30+$0x0], $0xffff  }
0x1cc: {  	v36 =	vor.u32 v1, v8;
	v18 =	vld.idx.msk [tilespmem:v24+s31+$0x0], $0xffff  }
0x1cd: {  	v22 =	vld.idx.msk [tilespmem:v25+s30+$0x0], $0xffff  }
.Ltmp5:
0x1ce: {  	v30 =	vor.u32 v1, v10;
	v23 =	vld.idx.msk [tilespmem:v25+s31+$0x0], $0xffff;
	(pc) =	sbr.rel @p1 .LBB2_5-.Ltmp5, $4  }
0x1cf: {  	v17 =	vld.idx.msk [tilespmem:v20+s30+$0x0], $0xffff  }
0x1d0: {  	v35 =	vor.u32 v1, v12;
	v20 =	vld.idx.msk [tilespmem:v20+s31+$0x0], $0xffff  }
0x1d1: {  	v24 =	vld.idx.msk [tilespmem:v36+s30+$0x0], $0xffff  }
0x1d2: {  	s28 =	sadd.s32 $0x8, s28;
	v29 =	vor.u32 v1, v19;
	v25 =	vld.idx.msk [tilespmem:v36+s31+$0x0], $0xffff  }
0x1d3: {  	_ =	sdelay $0x3  }
0x1d4: {  	v36 =	vld.idx.msk [tilespmem:v30+s30+$0x0], $0xffff  }
0x1d5: {  	v30 =	vld.idx.msk [tilespmem:v30+s31+$0x0], $0xffff  }
0x1d6: {  	v37 =	vld.idx.msk [tilespmem:v35+s30+$0x0], $0xffff  }
0x1d7: {  	v48 =	vld.idx.msk [tilespmem:v35+s31+$0x0], $0xffff  }
0x1d8: {  	v19 =	vor.u32 v2, v19;
	v38 =	vld.idx.msk [tilespmem:v29+s30+$0x0], $0xffff  }
0x1d9: {  	v29 =	vld.idx.msk [tilespmem:v29+s31+$0x0], $0xffff  }
0x1da: {  	v12 =	vor.u32 v2, v12;
	v44 =	vor.u32 v2, v3;
	v3 =	vld.idx.msk [tilespmem:v3+s17+$0x0], $0xffff  }
0x1db: {  	v46 =	vld [tilespmem:$0x1FD90]  }
0x1dc: {  	v10 =	vor.u32 v2, v10;
	v24 =	vmul.f32 v25, v24;
	v25 =	vld [tilespmem:$0x1FE00]  }
0x1dd: {  	v39 =	vld.idx.msk [tilespmem:v19+s30+$0x0], $0xffff  }
0x1de: {  	v8 =	vor.u32 v2, v8;
	v19 =	vld.idx.msk [tilespmem:v19+s31+$0x0], $0xffff  }
0x1df: {  	v40 =	vld.idx.msk [tilespmem:v12+s30+$0x0], $0xffff  }
0x1e0: {  	v7 =	vor.u32 v2, v7;
	v12 =	vld.idx.msk [tilespmem:v12+s31+$0x0], $0xffff  }
0x1e1: {  	v41 =	vld.idx.msk [tilespmem:v10+s30+$0x0], $0xffff  }
0x1e2: {  	v42 =	vor.u32 v2, v63;
	v10 =	vld.idx.msk [tilespmem:v10+s31+$0x0], $0xffff  }
0x1e3: {  	v43 =	vld.idx.msk [tilespmem:v8+s30+$0x0], $0xffff  }
0x1e4: {  	v8 =	vld.idx.msk [tilespmem:v8+s31+$0x0], $0xffff  }
0x1e5: {  	v13 =	vmul.f32 v15, v13;
	v15 =	vld.idx.msk [tilespmem:v7+s30+$0x0], $0xffff  }
0x1e6: {  	v7 =	vld.idx.msk [tilespmem:v7+s31+$0x0], $0xffff  }
0x1e7: {  	v13 =	vmul.f32 v13, v5;
	v29 =	vmul.f32 v29, v38;
	v38 =	vld.idx.msk [tilespmem:v42+s30+$0x0], $0xffff  }
0x1e8: {  	v16 =	vmul.f32 v21, v16;
	v21 =	vld.idx.msk [tilespmem:v42+s31+$0x0], $0xffff  }
0x1e9: {  	v11 =	vadd.f32 v13, v11;
	v13 =	vld.idx.msk [tilespmem:v44+s30+$0x0], $0xffff  }
0x1ea: {  	v14 =	vmul.f32 v18, v14;
	v18 =	vld.idx.msk [tilespmem:v44+s31+$0x0], $0xffff  }
0x1eb: {  	v35 =	vmul.f32 v48, v37;
	v45 =	vmul.f32 v30, v36;
	v44 =	vld [tilespmem:$0x1FEB0]  }
0x1ec: {  	v48 =	vmul.f32 v16, v5;
	v63 =	vmul.f32 v24, v60;
	v24 =	vld [tilespmem:$0x1FE30]  }
0x1ed: {  	v22 =	vmul.f32 v23, v22;
	v23 =	vmul.f32 v45, v62;
	v45 =	vld [tilespmem:$0x1FEC0]  }
0x1ee: {  	v5 =	vadd.f32 v48, v9;
	v48 =	vld [tilespmem:$0x1FDA0]  }
0x1ef: {  	v17 =	vmul.f32 v20, v17;
	v29 =	vmul.f32 v29, v6;
	v20 =	vld.idx.msk [tilespmem:v46+s17+$0x0], $0xffff  }
0x1f0: {  	v46 =	vld [tilespmem:$0x1FDB0]  }
0x1f1: {  	v30 =	vmul.f32 v35, v4;
	v11 =	vadd.f32 v29, v11;
	v19 =	vmul.f32 v19, v39;
	v39 =	vld [tilespmem:$0x1FE20]  }
0x1f2: {  	v29 =	vsel vm0, v28, v27;
	v12 =	vmul.f32 v12, v40;
	v40 =	vld [tilespmem:$0x1FEA0]  }
0x1f3: {  	v47 =	vcombine.low v29, v26;
	v11 =	vadd.f32 v30, v11;
	v30 =	vld [tilespmem:$0x1FE10]  }
0x1f4: {  	v10 =	vmul.f32 v10, v41;
	v25 =	vld.idx.msk [tilespmem:v25+s3+$0x0], $0xffff  }
0x1f5: {  	v35 =	vand.u32 $0xFF, v47;
	v47 =	vld [tilespmem:$0x1FDC0]  }
0x1f6: {  	v10 =	vmul.f32 v10, v62;
	v62 =	vld [tilespmem:$0x1FF20];
	v11 =	vadd.f32 v23, v11  }
0x1f7: {  	v16 =	vld.idx.msk [tilespmem:v44+s17+$0x0], $0xffff  }
0x1f8: {  	v17 =	vmul.f32 v17, v61;
	v11 =	vadd.f32 v63, v11;
	v63 =	vld [tilespmem:$0x1FDD0]  }
0x1f9: {  	v36 =	vsel vm0, v32, v31;
	v37 =	vsel vm0, v34, v33;
	v6 =	vmul.f32 v19, v6;
	v19 =	vld.idx.msk [tilespmem:v45+s3+$0x0], $0xffff  }
0x1fa: {  	v42 =	vcombine.low v37, v36;
	v45 =	vld [tilespmem:$0x1FE70]  }
0x1fb: {  	v11 =	vadd.f32 v17, v11;
	v17 =	vld.idx.msk [tilespmem:v35+s17+$0x0], $0xffff  }
0x1fc: {  	v23 =	vld.idx.msk [tilespmem:v39+s17+$0x0], $0xffff;
	v39 =	vand.u32 $0xFF, v42  }
0x1fd: {  	v9 =	vld.idx.msk [tilespmem:v40+s3+$0x0], $0xffff;
	v40 =	vsel vm0, v47, v46;
	v42 =	vsel vm0, v48, v63  }
0x1fe: {  	v48 =	vld [tilespmem:$0x1FF00];
	v47 =	vcombine.low v42, v40  }
0x1ff: {  	v4 =	vmul.f32 v12, v4;
	v12 =	vmul.f32 v22, v59;
	v46 =	vld [tilespmem:$0x1FED0]  }
0x200: {  	v35 =	vand.u32 $0xFF, v47;
	v47 =	vld [tilespmem:$0x1FF10]  }
0x201: {  	v11 =	vadd.f32 v12, v11;
	v12 =	vld.idx.msk [tilespmem:v39+s17+$0x0], $0xffff  }
0x202: {  	v39 =	vld.idx.msk [tilespmem:v62+s3+$0x0], $0xffff  }
0x203: {  	v62 =	vld [tilespmem:$0x1FF40]  }
0x204: {  	v30 =	vld.idx.msk [tilespmem:v30+s3+$0x0], $0xffff  }
0x205: {  	v63 =	vld [tilespmem:$0x1FE50]  }
0x206: {  	v8 =	vmul.f32 v8, v43;
	v22 =	vld.idx.msk [tilespmem:v48+s3+$0x0], $0xffff  }
0x207: {  	v5 =	vadd.f32 v6, v5;
	v48 =	vld [tilespmem:$0x1FE60]  }
0x208: {  	v8 =	vmul.f32 v8, v60;
	v60 =	vmul.f32 v25, v20;
	v25 =	vld.idx.msk [tilespmem:v35+s17+$0x0], $0xffff  }
0x209: {  	v4 =	vadd.f32 v4, v5;
	v5 =	vld.idx.msk [tilespmem:v47+s3+$0x0], $0xffff  }
0x20a: {  	v47 =	vld [tilespmem:$0x1FF30]  }
0x20b: {  	v35 =	vld.idx.msk [tilespmem:v62+s3+$0x0], $0xffff  }
0x20c: {  	v62 =	vld [tilespmem:$0x1FF60]  }
0x20d: {  	v41 =	vsel vm0, v48, v63;
	v63 =	vld [tilespmem:$0x1FE40]  }
0x20e: {  	v14 =	vmul.f32 v14, v3;
	v24 =	vld.idx.msk [tilespmem:v24+s3+$0x0], $0xffff;
	v20 =	vmul.f32 v30, v20  }
0x20f: {  	v30 =	vcombine.low v36, v37;
	v37 =	vcombine.low v40, v42;
	v40 =	vld [tilespmem:$0x1FFE0]  }
0x210: {  	v6 =	vld.idx.msk [tilespmem:v46+s3+$0x0], $0xffff  }
0x211: {  	v11 =	vadd.f32 v14, v11;
	v46 =	vld [tilespmem:$0x1FEE0]  }
0x212: {  	v44 =	vsel vm0, v63, v45;
	v63 =	vld [tilespmem:$0x1FEF0]  }
0x213: {  	v7 =	vmul.f32 v7, v15;
	v11 =	vadd.f32 v60, v11;
	v60 =	vld [tilespmem:$0x1FF50];
	v48 =	vcombine.low v44, v41  }
0x214: {  	v4 =	vadd.f32 v10, v4;
	v10 =	vld.idx.msk [tilespmem:v47+s3+$0x0], $0xffff  }
0x215: {  	v7 =	vmul.f32 v7, v61;
	v61 =	vmul.f32 v19, v16;
	v19 =	vld.idx.msk [tilespmem:v62+s3+$0x0], $0xffff;
	v43 =	vand.u32 $0xFF, v48  }
0x216: {  	v21 =	vmul.f32 v21, v38;
	v9 =	vmul.f32 v9, v23;
	v62 =	vld [tilespmem:$0x1FF80]  }
0x217: {  	v46 =	vsel vm0, v46, v28;
	v45 =	vsel vm0, v27, v63;
	v63 =	vmul.f32 v24, v23;
	v23 =	vld.idx.msk [tilespmem:v40+s3+$0x0], $0xffff  }
0x218: {  	v48 =	vcombine.low v46, v45;
	v42 =	vcombine.low v45, v46;
	v45 =	vld.idx.msk [tilespmem:v51+s3+$0x0], $0xffff  }
0x219: {  	v11 =	vadd.f32 v63, v11;
	v63 =	vmul.f32 v21, v59;
	v59 =	vld [tilespmem:$0x1FDE0]  }
0x21a: {  	v4 =	vadd.f32 v8, v4;
	v8 =	vld.idx.msk [tilespmem:v43+s17+$0x0], $0xffff  }
0x21b: {  	v47 =	vsel vm0, v33, v32;
	v15 =	vand.u32 $0xFF, v48;
	v48 =	vsel vm0, v31, v34;
	v43 =	vld [tilespmem:$0x1FE90]  }
0x21c: {  	v24 =	vcombine.low v48, v47;
	v47 =	vld.idx.msk [tilespmem:v60+s3+$0x0], $0xffff  }
0x21d: {  	v60 =	vld [tilespmem:$0x1FDF0]  }
0x21e: {  	v4 =	vadd.f32 v7, v4;
	v48 =	vld [tilespmem:$0x1FF70]  }
0x21f: {  	v7 =	vld.idx.msk [tilespmem:v62+s3+$0x0], $0xffff  }
0x220: {  	v13 =	vmul.f32 v18, v13;
	v4 =	vadd.f32 v63, v4;
	v63 =	vld [tilespmem:$0x1FE80]  }
0x221: {  	v29 =	vcombine.low v26, v29;
	v62 =	vld [tilespmem:$0x1FFA0]  }
0x222: {  	v3 =	vmul.f32 v13, v3;
	v15 =	vld.idx.msk [tilespmem:v15+s17+$0x0], $0xffff;
	v38 =	vcombine.low v59, v60  }
0x223: {  	v29 =	vand.u32 $0xFF, v29;
	v59 =	vld [tilespmem:$0x1FF90]  }
0x224: {  	v24 =	vand.u32 $0xFF, v24;
	v3 =	vadd.f32 v3, v4;
	v18 =	vand.u32 $0xFF, v38;
	v38 =	vld [tilespmem:$0x1FFC0]  }
0x225: {  	v11 =	vadd.f32 v61, v11;
	v61 =	vmul.f32 v22, v17;
	v22 =	vcombine.low v63, v43;
	v63 =	vld [tilespmem:$0x1FFB0]  }
0x226: {  	v3 =	vadd.f32 v20, v3;
	v43 =	vld.idx.msk [tilespmem:v49+s3+$0x0], $0xffff  }
0x227: {  	v11 =	vadd.f32 v61, v11;
	v21 =	vld.idx.msk [tilespmem:v48+s3+$0x0], $0xffff;
	v48 =	vmul.f32 v39, v12  }
0x228: {  	v36 =	vmul.f32 v19, v8;
	v19 =	vand.u32 $0xFF, v37;
	v3 =	vadd.f32 v9, v3;
	v9 =	vld.idx.msk [tilespmem:v29+s17+$0x0], $0xffff  }
0x229: {  	v61 =	vmul.f32 v35, v25;
	v24 =	vld.idx.msk [tilespmem:v24+s17+$0x0], $0xffff;
	v22 =	vand.u32 $0xFF, v22;
	v60 =	vadd.f32 v48, v11  }
0x22a: {  	v13 =	vld.idx.msk [tilespmem:v62+s3+$0x0], $0xffff  }
0x22b: {  	v4 =	vadd.f32 v61, v60;
	v18 =	vld.idx.msk [tilespmem:v18+s17+$0x0], $0xffff  }
0x22c: {  	v30 =	vand.u32 $0xFF, v30;
	v20 =	vld.idx.msk [tilespmem:v38+s3+$0x0], $0xffff  }
0x22d: {  	v5 =	vmul.f32 v5, v17;
	v7 =	vmul.f32 v7, v15;
	v17 =	vld.idx.msk [tilespmem:v19+s17+$0x0], $0xffff;
	v4 =	vadd.f32 v36, v4  }
0x22e: {  	v11 =	vld.idx.msk [tilespmem:v22+s17+$0x0], $0xffff  }
0x22f: {  	v39 =	vcombine.low v41, v44;
	v14 =	vld.idx.msk [tilespmem:v59+s3+$0x0], $0xffff;
	v41 =	vmul.f32 v13, v24;
	v4 =	vadd.f32 v7, v4  }
0x230: {  	v6 =	vmul.f32 v6, v16;
	v35 =	vld.idx.msk [tilespmem:v63+s3+$0x0], $0xffff  }
0x231: {  	v22 =	vand.u32 $0xFF, v39;
	v36 =	vld [tilespmem:$0x1FFD0];
	v4 =	vadd.f32 v41, v4;
	v44 =	vmul.f32 v20, v18  }
0x232: {  	v3 =	vadd.f32 v6, v3;
	v20 =	vld.idx.msk [tilespmem:v30+s17+$0x0], $0xffff  }
0x233: {  	v13 =	vand.u32 $0xFF, v42;
	v38 =	vld [tilespmem:$0x1FFF0];
	v46 =	vmul.f32 v23, v11;
	v4 =	vadd.f32 v44, v4  }
0x234: {  	v3 =	vadd.f32 v5, v3;
	v48 =	vmul.f32 v10, v12;
	v59 =	vld.idx.msk [tilespmem:v53+s3+$0x0], $0xffff  }
0x235: {  	v60 =	vmul.f32 v43, v9;
	v63 =	vld.idx.msk [tilespmem:v55+s3+$0x0], $0xffff;
	v4 =	vadd.f32 v46, v4  }
0x236: {  	v62 =	vmul.f32 v47, v25;
	v3 =	vadd.f32 v48, v3;
	v61 =	vld.idx.msk [tilespmem:v22+s17+$0x0], $0xffff  }
0x237: {  	v23 =	vld.idx.msk [tilespmem:v57+s3+$0x0], $0xffff;
	v6 =	vmul.f32 v45, v20;
	v4 =	vadd.f32 v60, v4  }
0x238: {  	v3 =	vadd.f32 v62, v3;
	v22 =	vmul.f32 v21, v8;
	v19 =	vld.idx.msk [tilespmem:v13+s17+$0x0], $0xffff  }
0x239: {  	v10 =	vmul.f32 v59, v17;
	v4 =	vadd.f32 v6, v4;
	v6 =	vld.idx.msk [tilespmem:v36+s3+$0x0], $0xffff  }
0x23a: {  	v37 =	vmul.f32 v14, v15;
	v3 =	vadd.f32 v22, v3  }
0x23b: {  	v39 =	vmul.f32 v63, v61;
	v4 =	vadd.f32 v10, v4;
	v10 =	vld.idx.msk [tilespmem:v38+s3+$0x0], $0xffff  }
0x23c: {  	v40 =	vmul.f32 v35, v24;
	v3 =	vadd.f32 v37, v3  }
0x23d: {  	v41 =	vld.idx.msk [tilespmem:v50+s3+$0x0], $0xffff;
	v8 =	vmul.f32 v23, v19;
	v4 =	vadd.f32 v39, v4  }
0x23e: {  	v3 =	vadd.f32 v40, v3;
	v42 =	vmul.f32 v6, v18  }
0x23f: {  	v43 =	vld.idx.msk [tilespmem:v52+s3+$0x0], $0xffff;
	v4 =	vadd.f32 v8, v4  }
0x240: {  	v3 =	vadd.f32 v42, v3;
	v44 =	vmul.f32 v10, v11  }
0x241: {  	v45 =	vld.idx.msk [tilespmem:v54+s3+$0x0], $0xffff;
	v4 =	vsub.f32 $0.0e+00, v4  }
0x242: {  	v46 =	vmul.f32 v41, v9;
	v3 =	vadd.f32 v44, v3  }
0x243: {  	v47 =	vld.idx.msk [tilespmem:v56+s3+$0x0], $0xffff;
	v4 =	vmul.f32 $1.442695020e+00, v4  }
0x244: {  	v48 =	vmul.f32 v43, v20;
	v3 =	vadd.f32 v46, v3  }
0x245: {  	v59 =	vld.idx.msk [tilespmem:v58+s3+$0x0], $0xffff;
	(erf) = vpow2.f32 v4  }
0x246: {  	v60 =	vmul.f32 v45, v17;
	v3 =	vadd.f32 v48, v3;
	_ =	sdelay $0x1  }
0x247: {  	v61 =	vmul.f32 v47, v61;
	v3 =	vadd.f32 v60, v3;
	_ =	sdelay $0x1  }
0x248: {  	v4 =	vmul.f32 v59, v19;
	v3 =	vadd.f32 v61, v3;
	_ =	sdelay $0x1  }
0x249: {  	v3 =	vadd.f32 v4, v3;
	_ =	sdelay $0x1  }
0x24a: {  	v62 =	vpop (erf);
	v3 =	vsub.f32 $0.0e+00, v3  }
0x24b: {  	v4 =	vadd.f32 $1.000000000e+00, v62  }
0x24c: {  	v3 =	vmul.f32 $1.442695020e+00, v3  }
0x24d: {  	(erf) = vrcp.f32 v4  }
0x24e: {  	(erf) = vpow2.f32 v3;
	_ =	sdelay $0x7  }
0x24f: {  	v3 =	vpop (erf)  }
0x250: {  	v63 =	vpop (erf)  }
0x251: {  	v4 =	vadd.f32 $1.000000000e+00, v63;
	_ =	sdelay $0x1  }
0x252: {  	(erf) = vrcp.f32 v4;
	_ =	sdelay $0x6  }
.Ltmp6:
0x253: {  	_ = 	snop;
	(pc) =	sbr.rel .LBB2_7-.Ltmp6, $4  }
0x254: {  	_ = 	snop  }
0x255: {  	s6 =	sshll.u32 s18, $0x8;
	[tilespmem:$0x6200] =	vst v3;
	v3 =	vpop (erf)  }
0x256: {  	s19 =	simm.s32 $0x6200;
	s6 =	sadd.s32 s6, s15;
	[tilespmem:$0x6210] =	vst v3  }
0x257: {  	[hbm4b:s6+s5] =	stream.linear.scatter [tilespmem:s19], [sflag:$0xB], $0x20, $0x38;
	[tilespmem:$0x19C80] =	vst v63  }
.LBB2_3:
0x258: {  	s21 =	sor.u32 $0x1, s26  }
.LBB2_7:
0x259: {  	p1 =	sge.u32 s21, s7  }
.Ltmp7:
0x25a: {  	_ = 	snop;
	(pc) =	sbr.rel @p1 .LBB2_11-.Ltmp7, $1  }
0x25b: {  	_ =	sdelay $0x3  }
0x25c: {  	_ =	swait.ge [sflag:s8], $0x1000  }
0x25d: {  	[sflag:s8] =	ssyncset.done $0x0  }
0x25e: {  	[sflag:s8] =	ssyncadd.s32 $0xFFFFF000  }
0x25f: {  	_ =	swait.ge [sflag:s10], $0x1000  }
0x260: {  	[sflag:s10] =	ssyncset.done $0x0  }
0x261: {  	[sflag:s10] =	ssyncadd.s32 $0xFFFFF000  }
0x262: {  	s6 =	sadd.s32 $0x2, s26;
	_ =	swait.ge [sflag:s11], $0x1000  }
0x263: {  	p1 =	sge.u32 s6, s7;
	[sflag:s11] =	ssyncset.done $0x0  }
0x264: {  	s19 =	simm.s32 @!p1 $0x1;
	[sflag:s11] =	ssyncadd.s32 $0xFFFFF000  }
0x265: {  	_ =	swait.ge @!p1 [sflag:s19], $0x20  }
0x266: {  	[sflag:s19] =	ssyncset.done @!p1 $0x0  }
0x267: {  	[sflag:s19] =	ssyncadd.s32 @!p1 $0xFFFFFFE0;
	s19 =	simm.s32 @!p1 $0x3  }
0x268: {  	_ =	swait.ge @!p1 [sflag:s19], $0x20  }
0x269: {  	s20 =	simm.s32 @!p1 $0x0;
	[sflag:s19] =	ssyncset.done @!p1 $0x0  }
0x26a: {  	s22 =	simm.s32 @!p1 $0x200;
	[sflag:s19] =	ssyncadd.s32 @!p1 $0xFFFFFFE0;
	s19 =	simm.s32 @!p1 $0x20  }
0x26b: {  	[tilespmem:s22], [sflag:$0x5] =	stream.indirect.gather @!p1 [spmem:s4], $0x80, s20, s19, $0xb8;
	[tilespmem:$0x19C80] =	vst v63  }
0x26c: {  	s28 =	simm.s32 @!p1 $0x2200;
	s6 =	sshll.u32 @!p1 s6, $0xE;
	s22 =	simm.s32 @!p1 $0x100  }
0x26d: {  	[tilespmem:s28], [sflag:$0x7] =	stream.indirect.gather @!p1 [spmem:s4], $0x80, s22, s19, $0xb8;
	[tilespmem:$0x19C80] =	vst v63  }
0x26e: {  	s6 =	sadd.s32 @!p1 s6, s14;
	s19 =	simm.s32 @!p1 $0x4200  }
0x26f: {  	[tilespmem:s19], [sflag:$0x9] =	stream.linear.gather @!p1 [hbm4b:s6+s20], $0x1000, $0x38;
	[tilespmem:$0x19C80] =	vst v63  }
0x270: {  	s6 =	sadd.s32 $0x3, s26  }
0x271: {  	p1 =	sge.u32 s6, s7  }
0x272: {  	s6 =	sshll.u32 @!p1 s6, $0x7  }
0x273: {  	s26 =	simm.s32 $0x6;
	s6 =	sor.u32 @!p1 s9, s6  }
0x274: {  	s20 =	simm.s32 @!p1 $0x0;
	s22 =	simm.s32 @!p1 $0x80;
	s19 =	sadd.s32 @!p1 s0, s6  }
0x275: {  	[tilespmem:s22], [sflag:$0x2] =	stream.linear.gather @!p1 [hbm4b:s19+s20], $0x20, $0x38;
	[tilespmem:$0x19C80] =	vst v63  }
0x276: {  	s6 =	sadd.s32 @!p1 s1, s6;
	s19 =	simm.s32 @!p1 $0x180;
	s22 =	simm.s32 $0x0  }
0x277: {  	v3 =	vadd.s32 s22, v0;
	[tilespmem:s19], [sflag:$0x4] =	stream.linear.gather @!p1 [hbm4b:s6+s20], $0x20, $0x38;
	[tilespmem:$0x19C80] =	vst v63  }
0x278: {  	s28 =	simm.s32 $0x5;
	v4 =	vadd.s32 s26, v0;
	p1 =	seq.s32 s18, $0x0;
	v3 =	vand.u32 $0x7F, v3  }
0x279: {  	s29 =	simm.s32 $0x4;
	v5 =	vadd.s32 s28, v0;
	v63 =	vand.u32 $0x7F, v4;
	s6 =	simm.s32 @!p1 $0xC  }
0x27a: {  	v7 =	vand.u32 $0x7F, v5;
	s26 =	simm.s32 $0x2;
	v4 =	vadd.s32 s29, v0;
	_ =	swait.ge @!p1 [sflag:s6], $0x20  }
0x27b: {  	s28 =	simm.s32 $0x1;
	v8 =	vand.u32 $0x7F, v4;
	v4 =	vadd.s32 s26, v0;
	s22 =	simm.s32 $0x3;
	[sflag:s6] =	ssyncset.done @!p1 $0x0  }
0x27c: {  	v6 =	vadd.s32 s28, v0;
	v12 =	vand.u32 $0x7F, v4;
	v5 =	vadd.s32 s22, v0;
	[sflag:s6] =	ssyncadd.s32 @!p1 $0xFFFFFFE0  }
0x27d: {  	v19 =	vand.u32 $0x7F, v6;
	v10 =	vand.u32 $0x7F, v5;
	v5 =	vld.idx.msk [tilespmem:v3+s17+$0x0], $0xffff  }
0x27e: {  	v25 =	vor.u32 v1, v8;
	v59 =	vld.idx.msk [tilespmem:v63+s17+$0x0], $0xffff  }
0x27f: {  	s29 =	simm.s32 $0x7;
	v61 =	vld.idx.msk [tilespmem:v7+s17+$0x0], $0xffff  }
0x280: {  	v4 =	vadd.s32 s29, v0;
	v60 =	vld.idx.msk [tilespmem:v8+s17+$0x0], $0xffff  }
0x281: {  	v9 =	vor.u32 v1, v3;
	v11 =	vor.u32 v2, v3;
	v3 =	vand.u32 $0x7F, v4;
	v4 =	vld.idx.msk [tilespmem:v12+s17+$0x0], $0xffff  }
0x282: {  	v6 =	vld.idx.msk [tilespmem:v19+s17+$0x0], $0xffff  }
0x283: {  	v24 =	vld.idx.msk [tilespmem:v25+s12+$0x0], $0xffff  }
0x284: {  	v25 =	vld.idx.msk [tilespmem:v25+s13+$0x0], $0xffff  }
0x285: {  	v62 =	vld.idx.msk [tilespmem:v10+s17+$0x0], $0xffff;
	v17 =	vor.u32 v1, v3  }
0x286: {  	v13 =	vld.idx.msk [tilespmem:v9+s12+$0x0], $0xffff  }
0x287: {  	v15 =	vld.idx.msk [tilespmem:v9+s13+$0x0], $0xffff;
	v9 =	vor.u32 v1, v63  }
0x288: {  	v16 =	vld.idx.msk [tilespmem:v11+s12+$0x0], $0xffff  }
0x289: {  	v21 =	vld.idx.msk [tilespmem:v11+s13+$0x0], $0xffff;
	v11 =	vor.u32 v1, v7  }
0x28a: {  	v14 =	vld.idx.msk [tilespmem:v17+s12+$0x0], $0xffff  }
0x28b: {  	v30 =	vor.u32 v1, v10;
	v18 =	vld.idx.msk [tilespmem:v17+s13+$0x0], $0xffff  }
0x28c: {  	v22 =	vld.idx.msk [tilespmem:v9+s12+$0x0], $0xffff  }
0x28d: {  	v35 =	vor.u32 v1, v12;
	v23 =	vld.idx.msk [tilespmem:v9+s13+$0x0], $0xffff  }
0x28e: {  	v17 =	vld.idx.msk [tilespmem:v11+s12+$0x0], $0xffff  }
0x28f: {  	v29 =	vor.u32 v1, v19;
	s26 =	simm.s32 $0x8;
	v20 =	vld.idx.msk [tilespmem:v11+s13+$0x0], $0xffff;
	v11 =	vimm.f32 $0.0e+00;
	v9 =	vimm.f32 $0.0e+00  }
.LBB2_9:
0x290: {  	p1 =	slt.u32 s26, $0x78;
	v36 =	vld.idx.msk [tilespmem:v30+s12+$0x0], $0xffff  }
0x291: {  	v19 =	vor.u32 v2, v19;
	v30 =	vld.idx.msk [tilespmem:v30+s13+$0x0], $0xffff  }
0x292: {  	v37 =	vld.idx.msk [tilespmem:v35+s12+$0x0], $0xffff  }
0x293: {  	v12 =	vor.u32 v2, v12;
	v35 =	vld.idx.msk [tilespmem:v35+s13+$0x0], $0xffff  }
0x294: {  	v38 =	vld.idx.msk [tilespmem:v29+s12+$0x0], $0xffff  }
0x295: {  	v39 =	vadd.s32 s26, v0;
	s6 =	sadd.s32 $0x5, s26;
	s19 =	sadd.s32 $0x6, s26;
	s20 =	sadd.s32 $0x7, s26;
	v10 =	vor.u32 v2, v10;
	v29 =	vld.idx.msk [tilespmem:v29+s13+$0x0], $0xffff  }
0x296: {  	s22 =	sadd.s32 $0x3, s26;
	s28 =	sadd.s32 $0x4, s26;
	v40 =	vadd.s32 s6, v0;
	v41 =	vadd.s32 s19, v0;
	v42 =	vadd.s32 s20, v0;
	v43 =	vld.idx.msk [tilespmem:v19+s12+$0x0], $0xffff  }
0x297: {  	v8 =	vor.u32 v2, v8;
	s6 =	sadd.s32 $0x1, s26;
	s19 =	sadd.s32 $0x2, s26;
	v44 =	vadd.s32 s22, v0;
	v45 =	vadd.s32 s28, v0;
	v19 =	vld.idx.msk [tilespmem:v19+s13+$0x0], $0xffff  }
0x298: {  	v39 =	vand.u32 $0x7F, v39;
	v46 =	vadd.s32 s6, v0;
	v47 =	vadd.s32 s19, v0;
	v48 =	vld.idx.msk [tilespmem:v12+s12+$0x0], $0xffff  }
0x299: {  	v13 =	vmul.f32 v15, v13;
	v15 =	vmul.f32 v21, v16;
	v16 =	vor.u32 v2, v7;
	v12 =	vld.idx.msk [tilespmem:v12+s13+$0x0], $0xffff  }
0x29a: {  	v22 =	vmul.f32 v23, v22;
	v14 =	vmul.f32 v18, v14;
	v21 =	vand.u32 $0x7F, v42;
	v42 =	vld.idx.msk [tilespmem:v10+s12+$0x0], $0xffff  }
0x29b: {  	v23 =	vmul.f32 v25, v24;
	v17 =	vmul.f32 v20, v17;
	v20 =	vor.u32 v2, v63;
	v18 =	vld.idx.msk [tilespmem:v10+s13+$0x0], $0xffff  }
0x29c: {  	v63 =	vand.u32 $0x7F, v41;
	v25 =	vmul.f32 v30, v36;
	v24 =	vmul.f32 v35, v37;
	v30 =	vld.idx.msk [tilespmem:v8+s12+$0x0], $0xffff  }
0x29d: {  	v35 =	vor.u32 v2, v3;
	v10 =	vmul.f32 v29, v38;
	v19 =	vmul.f32 v19, v43;
	v29 =	vld.idx.msk [tilespmem:v8+s13+$0x0], $0xffff  }
0x29e: {  	v7 =	vand.u32 $0x7F, v40;
	v13 =	vmul.f32 v13, v5;
	v5 =	vmul.f32 v15, v5;
	v15 =	vld.idx.msk [tilespmem:v16+s12+$0x0], $0xffff  }
0x29f: {  	v8 =	vand.u32 $0x7F, v45;
	v36 =	vmul.f32 v10, v6;
	v12 =	vmul.f32 v12, v48;
	v16 =	vld.idx.msk [tilespmem:v16+s13+$0x0], $0xffff  }
0x2a0: {  	v11 =	vadd.f32 v13, v11;
	v5 =	vadd.f32 v5, v9;
	v6 =	vmul.f32 v19, v6;
	v9 =	vld.idx.msk [tilespmem:v20+s12+$0x0], $0xffff  }
0x2a1: {  	v13 =	vmul.f32 v24, v4;
	v10 =	vand.u32 $0x7F, v44;
	v18 =	vmul.f32 v18, v42;
	v20 =	vld.idx.msk [tilespmem:v20+s13+$0x0], $0xffff  }
0x2a2: {  	v11 =	vadd.f32 v36, v11;
	v6 =	vadd.f32 v6, v5;
	v4 =	vmul.f32 v12, v4;
	v24 =	vld.idx.msk [tilespmem:v35+s12+$0x0], $0xffff  }
0x2a3: {  	v25 =	vmul.f32 v25, v62;
	v12 =	vand.u32 $0x7F, v47;
	v29 =	vmul.f32 v29, v30;
	v30 =	vld.idx.msk [tilespmem:v35+s13+$0x0], $0xffff  }
0x2a4: {  	v11 =	vadd.f32 v13, v11;
	v4 =	vadd.f32 v4, v6;
	v6 =	vmul.f32 v18, v62;
	v5 =	vld.idx.msk [tilespmem:v39+s17+$0x0], $0xffff  }
0x2a5: {  	v19 =	vand.u32 $0x7F, v46;
	v13 =	vmul.f32 v23, v60;
	v15 =	vmul.f32 v16, v15;
	v16 =	vld.idx.msk [tilespmem:v3+s17+$0x0], $0xffff;
	v3 =	vmovc v21  }
0x2a6: {  	v11 =	vadd.f32 v25, v11;
	v4 =	vadd.f32 v6, v4;
	v6 =	vmul.f32 v29, v60;
	v18 =	vld.idx.msk [tilespmem:v63+s17+$0x0], $0xffff  }
0x2a7: {  	v17 =	vmul.f32 v17, v61;
	v21 =	vor.u32 v1, v39;
	v9 =	vmul.f32 v20, v9;
	v23 =	vld.idx.msk [tilespmem:v7+s17+$0x0], $0xffff  }
0x2a8: {  	v11 =	vadd.f32 v13, v11;
	v6 =	vadd.f32 v6, v4;
	v13 =	vmul.f32 v15, v61;
	v60 =	vld.idx.msk [tilespmem:v8+s17+$0x0], $0xffff  }
0x2a9: {  	v20 =	vor.u32 v2, v39;
	v15 =	vmul.f32 v22, v59;
	v22 =	vmul.f32 v30, v24;
	v62 =	vld.idx.msk [tilespmem:v10+s17+$0x0], $0xffff  }
0x2aa: {  	v11 =	vadd.f32 v17, v11;
	v17 =	vadd.f32 v13, v6;
	v9 =	vmul.f32 v9, v59;
	v4 =	vld.idx.msk [tilespmem:v12+s17+$0x0], $0xffff  }
0x2ab: {  	v24 =	vor.u32 v1, v3;
	v14 =	vmul.f32 v14, v16;
	v6 =	vld.idx.msk [tilespmem:v19+s17+$0x0], $0xffff  }
0x2ac: {  	v11 =	vadd.f32 v15, v11;
	v9 =	vadd.f32 v9, v17;
	v17 =	vmul.f32 v22, v16;
	v13 =	vld.idx.msk [tilespmem:v21+s12+$0x0], $0xffff  }
0x2ad: {  	v25 =	vor.u32 v1, v63;
	v59 =	vmov v18;
	v61 =	vmov v23;
	v15 =	vld.idx.msk [tilespmem:v21+s13+$0x0], $0xffff  }
0x2ae: {  	v11 =	vadd.f32 v14, v11;
	v9 =	vadd.f32 v17, v9;
	v16 =	vld.idx.msk [tilespmem:v20+s12+$0x0], $0xffff  }
0x2af: {  	v21 =	vld.idx.msk [tilespmem:v20+s13+$0x0], $0xffff;
	v20 =	vor.u32 v1, v7  }
0x2b0: {  	v14 =	vld.idx.msk [tilespmem:v24+s12+$0x0], $0xffff  }
0x2b1: {  	v36 =	vor.u32 v1, v8;
	v18 =	vld.idx.msk [tilespmem:v24+s13+$0x0], $0xffff  }
0x2b2: {  	v22 =	vld.idx.msk [tilespmem:v25+s12+$0x0], $0xffff  }
.Ltmp8:
0x2b3: {  	v30 =	vor.u32 v1, v10;
	v23 =	vld.idx.msk [tilespmem:v25+s13+$0x0], $0xffff;
	(pc) =	sbr.rel @p1 .LBB2_9-.Ltmp8, $4  }
0x2b4: {  	v17 =	vld.idx.msk [tilespmem:v20+s12+$0x0], $0xffff  }
0x2b5: {  	v35 =	vor.u32 v1, v12;
	v20 =	vld.idx.msk [tilespmem:v20+s13+$0x0], $0xffff  }
0x2b6: {  	v24 =	vld.idx.msk [tilespmem:v36+s12+$0x0], $0xffff  }
0x2b7: {  	s26 =	sadd.s32 $0x8, s26;
	v29 =	vor.u32 v1, v19;
	v25 =	vld.idx.msk [tilespmem:v36+s13+$0x0], $0xffff  }
.Ltmp9:
0x2b8: {  	_ = 	snop;
	(pc) =	sbr.rel .LBB2_10-.Ltmp9, $1  }
0x2b9: {  	_ =	sdelay $0x3  }
.LBB2_13:
0x2ba: {  	_ =	sfence.sel $0x180000  }
0x2bb: {  	[bflag:$0x0] =	sbarrier.arrive $0xFFFF  }
0x2bc: {  	_ =	strace $0x90000047  }
0x2bd: {  	[bflag:$0x2] =	sbarrier.arrive $0xFFFF  }
0x2be: {  	s0 =	rddreg [dreg:$0x7]  }
0x2bf: {  	s0 =	sadd.s32 @!p0 $0x100000, s0  }
0x2c0: {  	[sflag:s0] =	ssyncadd.tile.s32 @!p0 $0x1;
	_ =	shalt  }
.Lfunc_end2:
_tile_overlayer_lowered:
.L_overlay_start_2:
0x2c1: {  	(tag) =	ssettag $0x2  }
0x2c2: {  	s0 =	rddreg [dreg:$0x0];
	s2 =	stileid.u32  }
0x2c3: {  	s1 =	rddreg [dreg:$0x1];
	p0 =	sne.s32 s2, $0x0  }
0x2c4: {  	s3 =	rddreg [dreg:$0x2];
	[bflag:$0x3] =	sbarrier.arrive $0xFFFF;
	s2 =	simm.s32 @!p0 $0x1C0E  }
0x2c5: {  	[timem:s3], [sflag:s2] =	dma.local @!p0 [hbm:s0], s1  }
0x2c6: {  	s0 =	simm.s32 @!p0 $0xE  }
0x2c7: {  	_ =	swait.ge @!p0 [sflag:s0], s1  }
0x2c8: {  	s1 =	ssub.s32 @!p0 $0x0, s1;
	[sflag:s0] =	ssyncset.done @!p0 $0x0  }
0x2c9: {  	[sflag:s0] =	ssyncadd.s32 @!p0 s1  }
0x2ca: {  	[bflag:$0x3] =	sbarrier.arrive $0xFFFF  }
0x2cb: {  	_ =	shalt  }

</sc_bundles>
